<compile_context>
chip_gen: v7x
topology: tpu7x:2x2x1
jax: 0.10.2.dev20260603
libtpu: 0.0.44.dev20260713+nightly
codegen_flags: <defaults>
</compile_context>

<pallas_src>
import functools

import jax
import jax.numpy as jnp
from jax import lax
from jax.experimental import pallas as pl
from jax.experimental.pallas import tpu as pltpu
from jax.experimental.pallas import tpu_sc as plsc

NC = 2
NS = 16
CH = 8192
DEGW = 16


def _sc_mesh():
  return plsc.VectorSubcoreMesh(core_axis_name="c", subcore_axis_name="s")


def _make_deg_kernel(K, n_pad):
  rpt = n_pad // NS

  @functools.partial(
      pl.kernel,
      out_type=jax.ShapeDtypeStruct((NC, n_pad, DEGW), jnp.float32),
      mesh=_sc_mesh(),
      scratch_types=[
          pltpu.VMEM((K, 128), jnp.int32),
          pltpu.VMEM((128, DEGW), jnp.float32),
          pltpu.VMEM_SHARED((n_pad, DEGW), jnp.float32),
      ],
      compiler_params=pltpu.CompilerParams(use_tc_tiling_on_sc=False),
  )
  def deg_kernel(dst_hbm, zeros_hbm, ones_hbm, degp_hbm, dst_v, ones_v, acc_sh):
    c = lax.axis_index("c")
    s = lax.axis_index("s")
    wid = s * NC + c
    pltpu.sync_copy(zeros_hbm.at[pl.ds(rpt * s, rpt)], acc_sh.at[pl.ds(rpt * s, rpt)])
    pltpu.sync_copy(ones_hbm, ones_v)
    pltpu.sync_copy(dst_hbm.at[wid], dst_v)
    plsc.subcore_barrier()

    def step(j, carry):
      pltpu.sync_copy(ones_v, acc_sh.at[dst_v.at[j]], add=True)
      return carry

    lax.fori_loop(0, K, step, 0)
    plsc.subcore_barrier()
    pltpu.sync_copy(acc_sh.at[pl.ds(rpt * s, rpt)],
                    degp_hbm.at[c, pl.ds(rpt * s, rpt)])

  return deg_kernel


def _make_colsplit_kernel(n_chunks, n_pad, d):
  assert d % NS == 0
  cpt = d // NS

  sl = cpt * n_pad

  @functools.partial(
      pl.kernel,
      out_type=jax.ShapeDtypeStruct((NC, d * n_pad), jnp.float32),
      mesh=_sc_mesh(),
      scratch_types=[
          pltpu.VMEM((sl,), jnp.float32),
          pltpu.VMEM((sl,), jnp.float32),
          pltpu.VMEM((2, 2, CH), jnp.int32),
          pltpu.SemaphoreType.DMA((2,)),
      ],
      compiler_params=pltpu.CompilerParams(use_tc_tiling_on_sc=False,
                                           needs_layout_passes=False),
  )
  def colsplit_kernel(st_hbm, idx_hbm, zeros_hbm, aggp_hbm,
                      tab_v, acc_v, idx_v, isem):
    c = lax.axis_index("c")
    t = lax.axis_index("s")
    pltpu.async_copy(idx_hbm.at[c, 0], idx_v.at[0], isem.at[0])
    pltpu.sync_copy(st_hbm.at[pl.ds(t * sl, sl)], tab_v)
    pltpu.sync_copy(zeros_hbm.at[pl.ds(t * sl, sl)], acc_v)

    def chunk_step(j, carry):
      p = lax.rem(j, 2)
      q = lax.rem(j + 1, 2)
      pltpu.make_async_copy(idx_hbm.at[c, j], idx_v.at[p], isem.at[p]).wait()

      @pl.when(j + 1 < n_chunks)
      def _():
        pltpu.async_copy(idx_hbm.at[c, j + 1], idx_v.at[q], isem.at[q])

      @plsc.parallel_loop(0, CH // 16, unroll=8)
      def _body(i):
        sv = idx_v[p, 0, pl.ds(i * 16, 16)]
        dv = idx_v[p, 1, pl.ds(i * 16, 16)]
        for col in range(cpt):
          if col == 0:
            si, di = sv, dv
          else:
            off = jnp.full((16,), col * n_pad, jnp.int32)
            si, di = sv + off, dv + off
          vals = plsc.load_gather(tab_v, [si])
          plsc.addupdate_scatter(acc_v, [di], vals)

      return carry

    lax.fori_loop(0, n_chunks, chunk_step, 0)
    pltpu.sync_copy(acc_v, aggp_hbm.at[c, pl.ds(t * sl, sl)])

  return colsplit_kernel


def _dense1_body(degp_ref, x_ref, w1_ref, eye_ref, s1t_ref, s1_ref, dinv_ref):
  deg = degp_ref[0, :, 0:1] + degp_ref[1, :, 0:1] + 1.0
  dinv = lax.rsqrt(deg)
  dinv_ref[...] = dinv
  h1 = jnp.dot(x_ref[...], w1_ref[...], preferred_element_type=jnp.float32)
  s1 = h1 * dinv
  s1_ref[...] = s1
  s1t_ref[...] = lax.dot_general(eye_ref[...], s1, (((1,), (1,)), ((), ())),
                                 preferred_element_type=jnp.float32,
                                 precision=lax.Precision.HIGHEST)


def _mid_body(aggp_ref, s1_ref, dinv_ref, b1_ref, w2_ref, eye_h_ref,
              eye_o_ref, s2t_ref, s2_ref):
  dinv = dinv_ref[...]
  agg_t = aggp_ref[0] + aggp_ref[1]
  agg = lax.dot_general(agg_t, eye_h_ref[...], (((0,), (0,)), ((), ())),
                        preferred_element_type=jnp.float32,
                        precision=lax.Precision.HIGHEST)
  out1 = jnp.maximum(dinv * (agg + s1_ref[...]) + b1_ref[...], 0.0)
  s2 = jnp.dot(out1, w2_ref[...], preferred_element_type=jnp.float32) * dinv
  s2_ref[...] = s2
  s2t_ref[...] = lax.dot_general(eye_o_ref[...], s2, (((1,), (1,)), ((), ())),
                                 preferred_element_type=jnp.float32,
                                 precision=lax.Precision.HIGHEST)


def _final_body(aggp_ref, s2_ref, dinv_ref, b2_ref, eye_ref, z_ref):
  n = z_ref.shape[0]
  agg_t = aggp_ref[0] + aggp_ref[1]
  agg = lax.dot_general(agg_t, eye_ref[...], (((0,), (0,)), ((), ())),
                        preferred_element_type=jnp.float32,
                        precision=lax.Precision.HIGHEST)
  zfull = dinv_ref[...] * (agg + s2_ref[...]) + b2_ref[...]
  z_ref[...] = zfull[:n, :]


def kernel(x, edge_index, W1, b1, W2, b2):
  n, d_in = x.shape
  d_hid = W1.shape[1]
  d_out = W2.shape[1]
  e = edge_index.shape[1]

  n_chunks = -(-e // (NC * CH))
  e_pad = NC * n_chunks * CH
  n_pad = -(-(n + 1) // 128) * 128

  pad = e_pad - e
  src = jnp.concatenate([edge_index[0], jnp.zeros((pad,), jnp.int32)])
  dst = jnp.concatenate([edge_index[1], jnp.full((pad,), n, jnp.int32)])
  idx_r = jnp.stack([src.reshape(NC, n_chunks, CH),
                     dst.reshape(NC, n_chunks, CH)], axis=2)

  K = -(-e // (NC * NS * 128))
  e_pad_d = NC * NS * K * 128
  dst_d = jnp.concatenate([edge_index[1], jnp.full((e_pad_d - e,), n, jnp.int32)])
  dst_dr = dst_d.reshape(NC * NS, K, 128)

  zeros_deg = jnp.zeros((n_pad, DEGW), jnp.float32)
  ones_col = jnp.ones((128, DEGW), jnp.float32)
  degp = _make_deg_kernel(K, n_pad)(dst_dr, zeros_deg, ones_col)

  x_pad = jnp.pad(x, ((0, n_pad - n), (0, 0)))
  eye_h = jnp.eye(d_hid, dtype=jnp.float32)
  eye_o = jnp.eye(d_out, dtype=jnp.float32)

  s1t, s1, dinv = pl.pallas_call(
      _dense1_body,
      out_shape=[jax.ShapeDtypeStruct((d_hid, n_pad), jnp.float32),
                 jax.ShapeDtypeStruct((n_pad, d_hid), jnp.float32),
                 jax.ShapeDtypeStruct((n_pad, 1), jnp.float32)],
  )(degp, x_pad, W1, eye_h)

  zeros_h = jnp.zeros((d_hid * n_pad,), jnp.float32)
  aggp1 = _make_colsplit_kernel(n_chunks, n_pad, d_hid)(
      s1t.reshape(-1), idx_r, zeros_h).reshape(NC, d_hid, n_pad)

  s2t, s2 = pl.pallas_call(
      _mid_body,
      out_shape=[jax.ShapeDtypeStruct((d_out, n_pad), jnp.float32),
                 jax.ShapeDtypeStruct((n_pad, d_out), jnp.float32)],
  )(aggp1, s1, dinv, b1.reshape(1, d_hid), W2, eye_h, eye_o)

  zeros_o = jnp.zeros((d_out * n_pad,), jnp.float32)
  aggp2 = _make_colsplit_kernel(n_chunks, n_pad, d_out)(
      s2t.reshape(-1), idx_r, zeros_o).reshape(NC, d_out, n_pad)

  z = pl.pallas_call(
      _final_body,
      out_shape=jax.ShapeDtypeStruct((n, d_out), jnp.float32),
  )(aggp2, s2, dinv, b2.reshape(1, d_out), eye_o)

  return z

# --- scband reference (transcript-rebuilt; emitter-appended) ---
"""Pipeline reference for scband-my-gcn-89043261981497 (READ-ONLY COPY).

The authoritative reference and input builder live on the scoring server;
editing this copy changes nothing except your own understanding.
"""

import jax, jax.numpy as jnp
import numpy as np

N = 10000
E = 320000
D_IN = 128
D_HID = 32
D_OUT = 16


def setup_inputs(seed: int = 0) -> dict:
    key = jax.random.key(seed)
    k1, k2, k3, k4 = jax.random.split(key, 4)
    x = jax.random.normal(k1, (N, D_IN), dtype=jnp.float32)
    edge_index = jax.random.randint(k2, (2, E), 0, N, dtype=jnp.int32)
    # GCNConv parameters (glorot-style init for weights, zeros for bias)
    W1 = jax.random.normal(k3, (D_IN, D_HID), dtype=jnp.float32) * (1.0 / np.sqrt(D_IN))
    b1 = jnp.zeros((D_HID,), dtype=jnp.float32)
    W2 = jax.random.normal(k4, (D_HID, D_OUT), dtype=jnp.float32) * (1.0 / np.sqrt(D_HID))
    b2 = jnp.zeros((D_OUT,), dtype=jnp.float32)
    return {"x": x, "edge_index": edge_index, "W1": W1, "b1": b1, "W2": W2, "b2": b2}


def gcn_conv(x, edge_index, W, b):
    # Faithful GCNConv: add self-loops, symmetric D^{-1/2}(A+I)D^{-1/2} normalization,
    # linear transform, scatter-add aggregation, bias.
    n = x.shape[0]
    src = edge_index[0]
    dst = edge_index[1]
    loop = jnp.arange(n, dtype=src.dtype)
    src = jnp.concatenate([src, loop])
    dst = jnp.concatenate([dst, loop])
    ones = jnp.ones(src.shape[0], dtype=x.dtype)
    deg = jax.ops.segment_sum(ones, dst, num_segments=n)
    deg_inv_sqrt = jnp.where(deg > 0, 1.0 / jnp.sqrt(deg), 0.0)
    norm = jnp.take(deg_inv_sqrt, src) * jnp.take(deg_inv_sqrt, dst)
    h = x @ W
    msg = jnp.take(h, src, axis=0) * norm[:, None]
    out = jax.ops.segment_sum(msg, dst, num_segments=n)
    return out + b


def reference(x, edge_index, W1, b1, W2, b2):
    # encode(): conv1 -> relu -> dropout (identity in eval mode) -> conv2
    h = gcn_conv(x, edge_index, W1, b1)
    h = jax.nn.relu(h)
    z = gcn_conv(h, edge_index, W2, b2)
    return z

if __name__ == "__main__":
    import jax
    _d = setup_inputs()
    print(jax.jit(kernel)(*tuple(_d.values())))

</pallas_src>

<mosaic_0001>
#map = affine_map<(d0, d1) -> (0, 0, 0)>
#map1 = affine_map<(d0, d1) -> (0, 0)>
module attributes {stable_mosaic.version = 14 : i64} {
  func.func @deg_kernel(%arg0: i32, %arg1: i32, %arg2: memref<32x79x128xi32, #tpu.memory_space<hbm>>, %arg3: memref<10112x16xf32, #tpu.memory_space<hbm>>, %arg4: memref<128x16xf32, #tpu.memory_space<hbm>>, %arg5: memref<2x10112x16xf32, #tpu.memory_space<hbm>>, %arg6: memref<79x128xi32, #tpu.memory_space<vmem>>, %arg7: memref<128x16xf32, #tpu.memory_space<vmem>>, %arg8: memref<10112x16xf32, #tpu.memory_space<vmem_shared>>) attributes {dimension_semantics = [#tpu.dimension_semantics<core_parallel>, #tpu.dimension_semantics<subcore_parallel>], iteration_bounds = array<i64: 2, 16>, scalar_prefetch = 0 : i64, scratch_operands = 3 : i64, tpu.core_type = #tpu.core_type<sc_vector_subcore>, window_params = [{transform_indices = #map}, {transform_indices = #map1}, {transform_indices = #map1}, {transform_indices = #map}]} {
    %mul3A = arith.constant 2 : i32
    %mul3A_0 = arith.muli %arg1, %mul3A : i32
    %add3A = arith.addi %mul3A_0, %arg0 : i32
    %mul3A_1 = arith.constant 632 : i32
    %mul3A_2 = arith.muli %mul3A_1, %arg1 : i32
    %mul3A_3 = arith.constant 632 : i32
    %mul3A_4 = arith.muli %mul3A_3, %arg1 : i32
    "tpu.region"() ({
      %run_scoped3A = tpu.sem_alloc : memref<!tpu.dma_semaphore, #tpu.memory_space<semaphore_mem>>
      %dma_start3A = arith.constant 0 : i32
      %dma_start3A_15 = tpu.memref_slice %arg8[%mul3A_4, %dma_start3A] : memref<10112x16xf32, #tpu.memory_space<vmem_shared>> -> memref<632x16xf32, #tpu.memory_space<vmem_shared>>
      %dma_start3A_16 = arith.constant 0 : i32
      %dma_start3A_17 = tpu.memref_slice %arg3[%mul3A_2, %dma_start3A_16] : memref<10112x16xf32, #tpu.memory_space<hbm>> -> memref<632x16xf32, #tpu.memory_space<hbm>>
      tpu.enqueue_dma source(%dma_start3A_17 : memref<632x16xf32, #tpu.memory_space<hbm>>) target(%dma_start3A_15 : memref<632x16xf32, #tpu.memory_space<vmem_shared>>) target_semaphore(%run_scoped3A : memref<!tpu.dma_semaphore, #tpu.memory_space<semaphore_mem>>)
      %dma_wait3A = arith.constant 0 : i32
      %dma_wait3A_18 = tpu.memref_slice %arg8[%mul3A_4, %dma_wait3A] : memref<10112x16xf32, #tpu.memory_space<vmem_shared>> -> memref<632x16xf32, #tpu.memory_space<vmem_shared>>
      %dma_wait3A_19 = arith.constant 0 : i32
      %dma_wait3A_20 = tpu.memref_slice %arg3[%mul3A_2, %dma_wait3A_19] : memref<10112x16xf32, #tpu.memory_space<hbm>> -> memref<632x16xf32, #tpu.memory_space<hbm>>
      tpu.wait_dma2 semaphore(%run_scoped3A : memref<!tpu.dma_semaphore, #tpu.memory_space<semaphore_mem>>) src(%dma_wait3A_20 : memref<632x16xf32, #tpu.memory_space<hbm>>) dst(%dma_wait3A_18 : memref<632x16xf32, #tpu.memory_space<vmem_shared>>)
      tpu.yield
    }) : () -> ()
    "tpu.region"() ({
      %run_scoped3A = tpu.sem_alloc : memref<!tpu.dma_semaphore, #tpu.memory_space<semaphore_mem>>
      tpu.enqueue_dma source(%arg4 : memref<128x16xf32, #tpu.memory_space<hbm>>) target(%arg7 : memref<128x16xf32, #tpu.memory_space<vmem>>) target_semaphore(%run_scoped3A : memref<!tpu.dma_semaphore, #tpu.memory_space<semaphore_mem>>)
      tpu.wait_dma2 semaphore(%run_scoped3A : memref<!tpu.dma_semaphore, #tpu.memory_space<semaphore_mem>>) src(%arg4 : memref<128x16xf32, #tpu.memory_space<hbm>>) dst(%arg7 : memref<128x16xf32, #tpu.memory_space<vmem>>)
      tpu.yield
    }) : () -> ()
    "tpu.region"() ({
      %run_scoped3A = tpu.sem_alloc : memref<!tpu.dma_semaphore, #tpu.memory_space<semaphore_mem>>
      %dma_start3A = arith.constant 0 : i32
      %dma_start3A_15 = arith.constant 0 : i32
      %dma_start3A_16 = tpu.memref_slice %arg2[%add3A, %dma_start3A, %dma_start3A_15] : memref<32x79x128xi32, #tpu.memory_space<hbm>> -> memref<1x79x128xi32, #tpu.memory_space<hbm>>
      %dma_start3A_17 = tpu.memref_squeeze %dma_start3A_16 : memref<1x79x128xi32, #tpu.memory_space<hbm>> -> memref<79x128xi32, #tpu.memory_space<hbm>>
      %dma_start3A_18 = arith.constant 0 : i32
      %dma_start3A_19 = arith.constant 0 : i32
      %dma_start3A_20 = tpu.memref_slice %arg2[%add3A, %dma_start3A_18, %dma_start3A_19] : memref<32x79x128xi32, #tpu.memory_space<hbm>> -> memref<1x79x128xi32, #tpu.memory_space<hbm>>
      %dma_start3A_21 = tpu.memref_squeeze %dma_start3A_20 : memref<1x79x128xi32, #tpu.memory_space<hbm>> -> memref<79x128xi32, #tpu.memory_space<hbm>>
      tpu.enqueue_dma source(%dma_start3A_21 : memref<79x128xi32, #tpu.memory_space<hbm>>) target(%arg6 : memref<79x128xi32, #tpu.memory_space<vmem>>) target_semaphore(%run_scoped3A : memref<!tpu.dma_semaphore, #tpu.memory_space<semaphore_mem>>)
      %dma_wait3A = arith.constant 0 : i32
      %dma_wait3A_22 = arith.constant 0 : i32
      %dma_wait3A_23 = tpu.memref_slice %arg2[%add3A, %dma_wait3A, %dma_wait3A_22] : memref<32x79x128xi32, #tpu.memory_space<hbm>> -> memref<1x79x128xi32, #tpu.memory_space<hbm>>
      %dma_wait3A_24 = tpu.memref_squeeze %dma_wait3A_23 : memref<1x79x128xi32, #tpu.memory_space<hbm>> -> memref<79x128xi32, #tpu.memory_space<hbm>>
      %dma_wait3A_25 = arith.constant 0 : i32
      %dma_wait3A_26 = arith.constant 0 : i32
      %dma_wait3A_27 = tpu.memref_slice %arg2[%add3A, %dma_wait3A_25, %dma_wait3A_26] : memref<32x79x128xi32, #tpu.memory_space<hbm>> -> memref<1x79x128xi32, #tpu.memory_space<hbm>>
      %dma_wait3A_28 = tpu.memref_squeeze %dma_wait3A_27 : memref<1x79x128xi32, #tpu.memory_space<hbm>> -> memref<79x128xi32, #tpu.memory_space<hbm>>
      tpu.wait_dma2 semaphore(%run_scoped3A : memref<!tpu.dma_semaphore, #tpu.memory_space<semaphore_mem>>) src(%dma_wait3A_28 : memref<79x128xi32, #tpu.memory_space<hbm>>) dst(%arg6 : memref<79x128xi32, #tpu.memory_space<vmem>>)
      tpu.yield
    }) : () -> ()
    %barrier3A = arith.constant 0 : index
    tpu.barrier barrier_id(%barrier3A)
    %scan3A = arith.constant 0 : i32
    %scan3A_5 = arith.constant 0 : i32
    %scan3A_6 = arith.constant 79 : i32
    %scan3A_7 = arith.addi %scan3A_5, %scan3A_6 : i32
    %scan3A_8 = arith.constant 1 : i32
    scf.for %scan3A_15 = %scan3A_5 to %scan3A_7 step %scan3A_8  : i32 {
      "tpu.region"() ({
        %run_scoped3A = tpu.sem_alloc : memref<!tpu.dma_semaphore, #tpu.memory_space<semaphore_mem>>
        %dma_start3A = arith.constant 0 : i32
        %dma_start3A_16 = tpu.memref_slice %arg6[%scan3A_15, %dma_start3A] : memref<79x128xi32, #tpu.memory_space<vmem>> -> memref<1x128xi32, #tpu.memory_space<vmem>>
        %dma_start3A_17 = tpu.memref_squeeze %dma_start3A_16 : memref<1x128xi32, #tpu.memory_space<vmem>> -> memref<128xi32, #tpu.memory_space<vmem>>
        %dma_start3A_18 = arith.constant 0 : i32
        %dma_start3A_19 = arith.constant 0 : i32
        %dma_start3A_20 = tpu.memref_slice %arg8[%dma_start3A_18, %dma_start3A_19] : memref<10112x16xf32, #tpu.memory_space<vmem_shared>> -> memref<10112x16xf32, #tpu.memory_space<vmem_shared>>
        tpu.enqueue_indirect_dma source(%arg7 : memref<128x16xf32, #tpu.memory_space<vmem>>) target(%dma_start3A_20 : memref<10112x16xf32, #tpu.memory_space<vmem_shared>>) offsets(%dma_start3A_17 : memref<128xi32, #tpu.memory_space<vmem>>) semaphore(%run_scoped3A : memref<!tpu.dma_semaphore, #tpu.memory_space<semaphore_mem>>) {add = true}
        %dma_wait3A = arith.constant 0 : i32
        %dma_wait3A_21 = tpu.memref_slice %arg6[%scan3A_15, %dma_wait3A] : memref<79x128xi32, #tpu.memory_space<vmem>> -> memref<1x128xi32, #tpu.memory_space<vmem>>
        %dma_wait3A_22 = tpu.memref_squeeze %dma_wait3A_21 : memref<1x128xi32, #tpu.memory_space<vmem>> -> memref<128xi32, #tpu.memory_space<vmem>>
        %dma_wait3A_23 = arith.constant 0 : i32
        %dma_wait3A_24 = arith.constant 0 : i32
        %dma_wait3A_25 = tpu.memref_slice %arg8[%dma_wait3A_23, %dma_wait3A_24] : memref<10112x16xf32, #tpu.memory_space<vmem_shared>> -> memref<10112x16xf32, #tpu.memory_space<vmem_shared>>
        tpu.wait_indirect_dma semaphore(%run_scoped3A : memref<!tpu.dma_semaphore, #tpu.memory_space<semaphore_mem>>) src(%arg7 : memref<128x16xf32, #tpu.memory_space<vmem>>) dst(%dma_wait3A_25 : memref<10112x16xf32, #tpu.memory_space<vmem_shared>>)
        tpu.yield
      }) : () -> ()
    }
    %scan3A_9 = arith.constant 79 : i32
    %barrier3A_10 = arith.constant 0 : index
    tpu.barrier barrier_id(%barrier3A_10)
    %mul3A_11 = arith.constant 632 : i32
    %mul3A_12 = arith.muli %mul3A_11, %arg1 : i32
    %mul3A_13 = arith.constant 632 : i32
    %mul3A_14 = arith.muli %mul3A_13, %arg1 : i32
    "tpu.region"() ({
      %run_scoped3A = tpu.sem_alloc : memref<!tpu.dma_semaphore, #tpu.memory_space<semaphore_mem>>
      %dma_start3A = arith.constant 0 : i32
      %dma_start3A_15 = tpu.memref_slice %arg5[%arg0, %mul3A_14, %dma_start3A] : memref<2x10112x16xf32, #tpu.memory_space<hbm>> -> memref<1x632x16xf32, #tpu.memory_space<hbm>>
      %dma_start3A_16 = tpu.memref_squeeze %dma_start3A_15 : memref<1x632x16xf32, #tpu.memory_space<hbm>> -> memref<632x16xf32, #tpu.memory_space<hbm>>
      %dma_start3A_17 = arith.constant 0 : i32
      %dma_start3A_18 = tpu.memref_slice %arg8[%mul3A_12, %dma_start3A_17] : memref<10112x16xf32, #tpu.memory_space<vmem_shared>> -> memref<632x16xf32, #tpu.memory_space<vmem_shared>>
      tpu.enqueue_dma source(%dma_start3A_18 : memref<632x16xf32, #tpu.memory_space<vmem_shared>>) target(%dma_start3A_16 : memref<632x16xf32, #tpu.memory_space<hbm>>) target_semaphore(%run_scoped3A : memref<!tpu.dma_semaphore, #tpu.memory_space<semaphore_mem>>)
      %dma_wait3A = arith.constant 0 : i32
      %dma_wait3A_19 = tpu.memref_slice %arg5[%arg0, %mul3A_14, %dma_wait3A] : memref<2x10112x16xf32, #tpu.memory_space<hbm>> -> memref<1x632x16xf32, #tpu.memory_space<hbm>>
      %dma_wait3A_20 = tpu.memref_squeeze %dma_wait3A_19 : memref<1x632x16xf32, #tpu.memory_space<hbm>> -> memref<632x16xf32, #tpu.memory_space<hbm>>
      %dma_wait3A_21 = arith.constant 0 : i32
      %dma_wait3A_22 = tpu.memref_slice %arg8[%mul3A_12, %dma_wait3A_21] : memref<10112x16xf32, #tpu.memory_space<vmem_shared>> -> memref<632x16xf32, #tpu.memory_space<vmem_shared>>
      tpu.wait_dma2 semaphore(%run_scoped3A : memref<!tpu.dma_semaphore, #tpu.memory_space<semaphore_mem>>) src(%dma_wait3A_22 : memref<632x16xf32, #tpu.memory_space<vmem_shared>>) dst(%dma_wait3A_20 : memref<632x16xf32, #tpu.memory_space<hbm>>)
      tpu.yield
    }) : () -> ()
    return
  }
}

#map = affine_map<(d0, d1) -> (0)>
#map1 = affine_map<(d0, d1) -> (0, 0, 0, 0)>
#map2 = affine_map<(d0, d1) -> (0, 0)>
module attributes {stable_mosaic.version = 14 : i64} {
  func.func @colsplit_kernel(%arg0: i32, %arg1: i32, %arg2: memref<161792xf32, #tpu.memory_space<hbm>>, %arg3: memref<2x20x2x8192xi32, #tpu.memory_space<hbm>>, %arg4: memref<161792xf32, #tpu.memory_space<hbm>>, %arg5: memref<2x161792xf32, #tpu.memory_space<hbm>>, %arg6: memref<10112xf32, #tpu.memory_space<vmem>>, %arg7: memref<10112xf32, #tpu.memory_space<vmem>>, %arg8: memref<2x2x8192xi32, #tpu.memory_space<vmem>>, %arg9: memref<2x!tpu.dma_semaphore, #tpu.memory_space<semaphore_mem>>) attributes {dimension_semantics = [#tpu.dimension_semantics<core_parallel>, #tpu.dimension_semantics<subcore_parallel>], iteration_bounds = array<i64: 2, 16>, scalar_prefetch = 0 : i64, scratch_operands = 4 : i64, tpu.core_type = #tpu.core_type<sc_vector_subcore>, window_params = [{transform_indices = #map}, {transform_indices = #map1}, {transform_indices = #map}, {transform_indices = #map2}]} {
    %dma_start3A = arith.constant 0 : i32
    %dma_start3A_0 = arith.constant 0 : i32
    %dma_start3A_1 = arith.constant 0 : i32
    %dma_start3A_2 = arith.constant 0 : i32
    %dma_start3A_3 = arith.constant 0 : i32
    %dma_start3A_4 = tpu.memref_slice %arg8[%dma_start3A_0, %dma_start3A_2, %dma_start3A_3] : memref<2x2x8192xi32, #tpu.memory_space<vmem>> -> memref<1x2x8192xi32, #tpu.memory_space<vmem>>
    %dma_start3A_5 = tpu.memref_squeeze %dma_start3A_4 : memref<1x2x8192xi32, #tpu.memory_space<vmem>> -> memref<2x8192xi32, #tpu.memory_space<vmem>>
    %dma_start3A_6 = arith.constant 0 : i32
    %dma_start3A_7 = arith.constant 0 : i32
    %dma_start3A_8 = tpu.memref_slice %arg3[%arg0, %dma_start3A, %dma_start3A_6, %dma_start3A_7] : memref<2x20x2x8192xi32, #tpu.memory_space<hbm>> -> memref<1x1x2x8192xi32, #tpu.memory_space<hbm>>
    %dma_start3A_9 = tpu.memref_squeeze %dma_start3A_8 : memref<1x1x2x8192xi32, #tpu.memory_space<hbm>> -> memref<2x8192xi32, #tpu.memory_space<hbm>>
    %dma_start3A_10 = tpu.memref_slice %arg9[%dma_start3A_1] : memref<2x!tpu.dma_semaphore, #tpu.memory_space<semaphore_mem>> -> memref<1x!tpu.dma_semaphore, #tpu.memory_space<semaphore_mem>>
    %dma_start3A_11 = tpu.memref_squeeze %dma_start3A_10 : memref<1x!tpu.dma_semaphore, #tpu.memory_space<semaphore_mem>> -> memref<!tpu.dma_semaphore, #tpu.memory_space<semaphore_mem>>
    %dma_start3A_12 = arith.constant 0 : i32
    %dma_start3A_13 = arith.constant 0 : i32
    %dma_start3A_14 = tpu.memref_slice %arg8[%dma_start3A_0, %dma_start3A_12, %dma_start3A_13] : memref<2x2x8192xi32, #tpu.memory_space<vmem>> -> memref<1x2x8192xi32, #tpu.memory_space<vmem>>
    %dma_start3A_15 = tpu.memref_squeeze %dma_start3A_14 : memref<1x2x8192xi32, #tpu.memory_space<vmem>> -> memref<2x8192xi32, #tpu.memory_space<vmem>>
    %dma_start3A_16 = arith.constant 0 : i32
    %dma_start3A_17 = arith.constant 0 : i32
    %dma_start3A_18 = tpu.memref_slice %arg3[%arg0, %dma_start3A, %dma_start3A_16, %dma_start3A_17] : memref<2x20x2x8192xi32, #tpu.memory_space<hbm>> -> memref<1x1x2x8192xi32, #tpu.memory_space<hbm>>
    %dma_start3A_19 = tpu.memref_squeeze %dma_start3A_18 : memref<1x1x2x8192xi32, #tpu.memory_space<hbm>> -> memref<2x8192xi32, #tpu.memory_space<hbm>>
    tpu.enqueue_dma source(%dma_start3A_19 : memref<2x8192xi32, #tpu.memory_space<hbm>>) target(%dma_start3A_15 : memref<2x8192xi32, #tpu.memory_space<vmem>>) target_semaphore(%dma_start3A_11 : memref<!tpu.dma_semaphore, #tpu.memory_space<semaphore_mem>>)
    %mul3A = arith.constant 10112 : i32
    %mul3A_20 = arith.muli %arg1, %mul3A : i32
    "tpu.region"() ({
      %run_scoped3A = tpu.sem_alloc : memref<!tpu.dma_semaphore, #tpu.memory_space<semaphore_mem>>
      %dma_start3A_30 = tpu.memref_slice %arg2[%mul3A_20] : memref<161792xf32, #tpu.memory_space<hbm>> -> memref<10112xf32, #tpu.memory_space<hbm>>
      %dma_start3A_31 = tpu.memref_slice %arg2[%mul3A_20] : memref<161792xf32, #tpu.memory_space<hbm>> -> memref<10112xf32, #tpu.memory_space<hbm>>
      tpu.enqueue_dma source(%dma_start3A_31 : memref<10112xf32, #tpu.memory_space<hbm>>) target(%arg6 : memref<10112xf32, #tpu.memory_space<vmem>>) target_semaphore(%run_scoped3A : memref<!tpu.dma_semaphore, #tpu.memory_space<semaphore_mem>>)
      %dma_wait3A = tpu.memref_slice %arg2[%mul3A_20] : memref<161792xf32, #tpu.memory_space<hbm>> -> memref<10112xf32, #tpu.memory_space<hbm>>
      %dma_wait3A_32 = tpu.memref_slice %arg2[%mul3A_20] : memref<161792xf32, #tpu.memory_space<hbm>> -> memref<10112xf32, #tpu.memory_space<hbm>>
      tpu.wait_dma2 semaphore(%run_scoped3A : memref<!tpu.dma_semaphore, #tpu.memory_space<semaphore_mem>>) src(%dma_wait3A_32 : memref<10112xf32, #tpu.memory_space<hbm>>) dst(%arg6 : memref<10112xf32, #tpu.memory_space<vmem>>)
      tpu.yield
    }) : () -> ()
    %mul3A_21 = arith.constant 10112 : i32
    %mul3A_22 = arith.muli %arg1, %mul3A_21 : i32
    "tpu.region"() ({
      %run_scoped3A = tpu.sem_alloc : memref<!tpu.dma_semaphore, #tpu.memory_space<semaphore_mem>>
      %dma_start3A_30 = tpu.memref_slice %arg4[%mul3A_22] : memref<161792xf32, #tpu.memory_space<hbm>> -> memref<10112xf32, #tpu.memory_space<hbm>>
      %dma_start3A_31 = tpu.memref_slice %arg4[%mul3A_22] : memref<161792xf32, #tpu.memory_space<hbm>> -> memref<10112xf32, #tpu.memory_space<hbm>>
      tpu.enqueue_dma source(%dma_start3A_31 : memref<10112xf32, #tpu.memory_space<hbm>>) target(%arg7 : memref<10112xf32, #tpu.memory_space<vmem>>) target_semaphore(%run_scoped3A : memref<!tpu.dma_semaphore, #tpu.memory_space<semaphore_mem>>)
      %dma_wait3A = tpu.memref_slice %arg4[%mul3A_22] : memref<161792xf32, #tpu.memory_space<hbm>> -> memref<10112xf32, #tpu.memory_space<hbm>>
      %dma_wait3A_32 = tpu.memref_slice %arg4[%mul3A_22] : memref<161792xf32, #tpu.memory_space<hbm>> -> memref<10112xf32, #tpu.memory_space<hbm>>
      tpu.wait_dma2 semaphore(%run_scoped3A : memref<!tpu.dma_semaphore, #tpu.memory_space<semaphore_mem>>) src(%dma_wait3A_32 : memref<10112xf32, #tpu.memory_space<hbm>>) dst(%arg7 : memref<10112xf32, #tpu.memory_space<vmem>>)
      tpu.yield
    }) : () -> ()
    %scan3A = arith.constant 0 : i32
    %scan3A_23 = arith.constant 0 : i32
    %scan3A_24 = arith.constant 20 : i32
    %scan3A_25 = arith.addi %scan3A_23, %scan3A_24 : i32
    %scan3A_26 = arith.constant 1 : i32
    scf.for %scan3A_30 = %scan3A_23 to %scan3A_25 step %scan3A_26  : i32 {
      %rem3A = arith.constant 2 : i32
      %rem3A_31 = arith.remsi %scan3A_30, %rem3A : i32
      %add3A = arith.constant 1 : i32
      %add3A_32 = arith.addi %scan3A_30, %add3A : i32
      %rem3A_33 = arith.constant 2 : i32
      %rem3A_34 = arith.remsi %add3A_32, %rem3A_33 : i32
      %dma_wait3A = arith.constant 0 : i32
      %dma_wait3A_35 = arith.constant 0 : i32
      %dma_wait3A_36 = tpu.memref_slice %arg8[%rem3A_31, %dma_wait3A, %dma_wait3A_35] : memref<2x2x8192xi32, #tpu.memory_space<vmem>> -> memref<1x2x8192xi32, #tpu.memory_space<vmem>>
      %dma_wait3A_37 = tpu.memref_squeeze %dma_wait3A_36 : memref<1x2x8192xi32, #tpu.memory_space<vmem>> -> memref<2x8192xi32, #tpu.memory_space<vmem>>
      %dma_wait3A_38 = arith.constant 0 : i32
      %dma_wait3A_39 = arith.constant 0 : i32
      %dma_wait3A_40 = tpu.memref_slice %arg3[%arg0, %scan3A_30, %dma_wait3A_38, %dma_wait3A_39] : memref<2x20x2x8192xi32, #tpu.memory_space<hbm>> -> memref<1x1x2x8192xi32, #tpu.memory_space<hbm>>
      %dma_wait3A_41 = tpu.memref_squeeze %dma_wait3A_40 : memref<1x1x2x8192xi32, #tpu.memory_space<hbm>> -> memref<2x8192xi32, #tpu.memory_space<hbm>>
      %dma_wait3A_42 = tpu.memref_slice %arg9[%rem3A_31] : memref<2x!tpu.dma_semaphore, #tpu.memory_space<semaphore_mem>> -> memref<1x!tpu.dma_semaphore, #tpu.memory_space<semaphore_mem>>
      %dma_wait3A_43 = tpu.memref_squeeze %dma_wait3A_42 : memref<1x!tpu.dma_semaphore, #tpu.memory_space<semaphore_mem>> -> memref<!tpu.dma_semaphore, #tpu.memory_space<semaphore_mem>>
      %dma_wait3A_44 = arith.constant 0 : i32
      %dma_wait3A_45 = arith.constant 0 : i32
      %dma_wait3A_46 = tpu.memref_slice %arg8[%rem3A_31, %dma_wait3A_44, %dma_wait3A_45] : memref<2x2x8192xi32, #tpu.memory_space<vmem>> -> memref<1x2x8192xi32, #tpu.memory_space<vmem>>
      %dma_wait3A_47 = tpu.memref_squeeze %dma_wait3A_46 : memref<1x2x8192xi32, #tpu.memory_space<vmem>> -> memref<2x8192xi32, #tpu.memory_space<vmem>>
      %dma_wait3A_48 = arith.constant 0 : i32
      %dma_wait3A_49 = arith.constant 0 : i32
      %dma_wait3A_50 = tpu.memref_slice %arg3[%arg0, %scan3A_30, %dma_wait3A_48, %dma_wait3A_49] : memref<2x20x2x8192xi32, #tpu.memory_space<hbm>> -> memref<1x1x2x8192xi32, #tpu.memory_space<hbm>>
      %dma_wait3A_51 = tpu.memref_squeeze %dma_wait3A_50 : memref<1x1x2x8192xi32, #tpu.memory_space<hbm>> -> memref<2x8192xi32, #tpu.memory_space<hbm>>
      tpu.wait_dma2 semaphore(%dma_wait3A_43 : memref<!tpu.dma_semaphore, #tpu.memory_space<semaphore_mem>>) src(%dma_wait3A_51 : memref<2x8192xi32, #tpu.memory_space<hbm>>) dst(%dma_wait3A_47 : memref<2x8192xi32, #tpu.memory_space<vmem>>)
      %add3A_52 = arith.constant 1 : i32
      %add3A_53 = arith.addi %scan3A_30, %add3A_52 : i32
      %lt3A = arith.constant 20 : i32
      %lt3A_54 = arith.cmpi slt, %add3A_53, %lt3A : i32
      %convert_element_type3A = arith.extui %lt3A_54 : i1 to i32
      %cond3A = arith.constant 0 : i32
      %cond3A_55 = arith.cmpi ne, %convert_element_type3A, %cond3A : i32
      scf.if %cond3A_55 {
        %add3A_58 = arith.constant 1 : i32
        %add3A_59 = arith.addi %scan3A_30, %add3A_58 : i32
        %dma_start3A_60 = arith.constant 0 : i32
        %dma_start3A_61 = arith.constant 0 : i32
        %dma_start3A_62 = tpu.memref_slice %arg8[%rem3A_34, %dma_start3A_60, %dma_start3A_61] : memref<2x2x8192xi32, #tpu.memory_space<vmem>> -> memref<1x2x8192xi32, #tpu.memory_space<vmem>>
        %dma_start3A_63 = tpu.memref_squeeze %dma_start3A_62 : memref<1x2x8192xi32, #tpu.memory_space<vmem>> -> memref<2x8192xi32, #tpu.memory_space<vmem>>
        %dma_start3A_64 = arith.constant 0 : i32
        %dma_start3A_65 = arith.constant 0 : i32
        %dma_start3A_66 = tpu.memref_slice %arg3[%arg0, %add3A_59, %dma_start3A_64, %dma_start3A_65] : memref<2x20x2x8192xi32, #tpu.memory_space<hbm>> -> memref<1x1x2x8192xi32, #tpu.memory_space<hbm>>
        %dma_start3A_67 = tpu.memref_squeeze %dma_start3A_66 : memref<1x1x2x8192xi32, #tpu.memory_space<hbm>> -> memref<2x8192xi32, #tpu.memory_space<hbm>>
        %dma_start3A_68 = tpu.memref_slice %arg9[%rem3A_34] : memref<2x!tpu.dma_semaphore, #tpu.memory_space<semaphore_mem>> -> memref<1x!tpu.dma_semaphore, #tpu.memory_space<semaphore_mem>>
        %dma_start3A_69 = tpu.memref_squeeze %dma_start3A_68 : memref<1x!tpu.dma_semaphore, #tpu.memory_space<semaphore_mem>> -> memref<!tpu.dma_semaphore, #tpu.memory_space<semaphore_mem>>
        %dma_start3A_70 = arith.constant 0 : i32
        %dma_start3A_71 = arith.constant 0 : i32
        %dma_start3A_72 = tpu.memref_slice %arg8[%rem3A_34, %dma_start3A_70, %dma_start3A_71] : memref<2x2x8192xi32, #tpu.memory_space<vmem>> -> memref<1x2x8192xi32, #tpu.memory_space<vmem>>
        %dma_start3A_73 = tpu.memref_squeeze %dma_start3A_72 : memref<1x2x8192xi32, #tpu.memory_space<vmem>> -> memref<2x8192xi32, #tpu.memory_space<vmem>>
        %dma_start3A_74 = arith.constant 0 : i32
        %dma_start3A_75 = arith.constant 0 : i32
        %dma_start3A_76 = tpu.memref_slice %arg3[%arg0, %add3A_59, %dma_start3A_74, %dma_start3A_75] : memref<2x20x2x8192xi32, #tpu.memory_space<hbm>> -> memref<1x1x2x8192xi32, #tpu.memory_space<hbm>>
        %dma_start3A_77 = tpu.memref_squeeze %dma_start3A_76 : memref<1x1x2x8192xi32, #tpu.memory_space<hbm>> -> memref<2x8192xi32, #tpu.memory_space<hbm>>
        tpu.enqueue_dma source(%dma_start3A_77 : memref<2x8192xi32, #tpu.memory_space<hbm>>) target(%dma_start3A_73 : memref<2x8192xi32, #tpu.memory_space<vmem>>) target_semaphore(%dma_start3A_69 : memref<!tpu.dma_semaphore, #tpu.memory_space<semaphore_mem>>)
      } else {
      }
      %parallel_loop3A = arith.constant 0 : i32
      %parallel_loop3A_56 = arith.constant 512 : i32
      %parallel_loop3A_57 = arith.constant 1 : i32
      scf.for %parallel_loop3A_58 = %parallel_loop3A to %parallel_loop3A_56 step %parallel_loop3A_57  : i32 {
        %parallel_loop3A_59 = arith.constant 16 : i32
        %parallel_loop3A_60 = arith.muli %parallel_loop3A_58, %parallel_loop3A_59 : i32
        %parallel_loop3A_61 = arith.constant 0 : i32
        %parallel_loop3A_62 = arith.index_cast %rem3A_31 : i32 to index
        %parallel_loop3A_63 = arith.index_cast %parallel_loop3A_61 : i32 to index
        %parallel_loop3A_64 = arith.index_cast %parallel_loop3A_60 : i32 to index
        %parallel_loop3A_65 = tpu.vector_load %arg8[%parallel_loop3A_62, %parallel_loop3A_63, %parallel_loop3A_64] {strides = array<i32>} : memref<2x2x8192xi32, #tpu.memory_space<vmem>>, vector<16xi32>,
        %parallel_loop3A_66 = arith.constant 16 : i32
        %parallel_loop3A_67 = arith.muli %parallel_loop3A_58, %parallel_loop3A_66 : i32
        %parallel_loop3A_68 = arith.constant 1 : i32
        %parallel_loop3A_69 = arith.index_cast %rem3A_31 : i32 to index
        %parallel_loop3A_70 = arith.index_cast %parallel_loop3A_68 : i32 to index
        %parallel_loop3A_71 = arith.index_cast %parallel_loop3A_67 : i32 to index
        %parallel_loop3A_72 = tpu.vector_load %arg8[%parallel_loop3A_69, %parallel_loop3A_70, %parallel_loop3A_71] {strides = array<i32>} : memref<2x2x8192xi32, #tpu.memory_space<vmem>>, vector<16xi32>,
        %parallel_loop3A_73 = tpu.vector_load_idx %arg6[%parallel_loop3A_65] : memref<10112xf32, #tpu.memory_space<vmem>>[vector<16xi32>], vector<16xf32>,
        tpu.vector_store_idx %arg7[%parallel_loop3A_72], %parallel_loop3A_73 {add = true} : memref<10112xf32, #tpu.memory_space<vmem>>[vector<16xi32>], vector<16xf32>,
      } {sc.loop_unroll_factor = 8 : i64, sc.parallel_access}
    }
    %scan3A_27 = arith.constant 20 : i32
    %mul3A_28 = arith.constant 10112 : i32
    %mul3A_29 = arith.muli %arg1, %mul3A_28 : i32
    "tpu.region"() ({
      %run_scoped3A = tpu.sem_alloc : memref<!tpu.dma_semaphore, #tpu.memory_space<semaphore_mem>>
      %dma_start3A_30 = tpu.memref_slice %arg5[%arg0, %mul3A_29] : memref<2x161792xf32, #tpu.memory_space<hbm>> -> memref<1x10112xf32, #tpu.memory_space<hbm>>
      %dma_start3A_31 = tpu.memref_squeeze %dma_start3A_30 : memref<1x10112xf32, #tpu.memory_space<hbm>> -> memref<10112xf32, #tpu.memory_space<hbm>>
      %dma_start3A_32 = tpu.memref_slice %arg5[%arg0, %mul3A_29] : memref<2x161792xf32, #tpu.memory_space<hbm>> -> memref<1x10112xf32, #tpu.memory_space<hbm>>
      %dma_start3A_33 = tpu.memref_squeeze %dma_start3A_32 : memref<1x10112xf32, #tpu.memory_space<hbm>> -> memref<10112xf32, #tpu.memory_space<hbm>>
      tpu.enqueue_dma source(%arg7 : memref<10112xf32, #tpu.memory_space<vmem>>) target(%dma_start3A_33 : memref<10112xf32, #tpu.memory_space<hbm>>) target_semaphore(%run_scoped3A : memref<!tpu.dma_semaphore, #tpu.memory_space<semaphore_mem>>)
      %dma_wait3A = tpu.memref_slice %arg5[%arg0, %mul3A_29] : memref<2x161792xf32, #tpu.memory_space<hbm>> -> memref<1x10112xf32, #tpu.memory_space<hbm>>
      %dma_wait3A_34 = tpu.memref_squeeze %dma_wait3A : memref<1x10112xf32, #tpu.memory_space<hbm>> -> memref<10112xf32, #tpu.memory_space<hbm>>
      %dma_wait3A_35 = tpu.memref_slice %arg5[%arg0, %mul3A_29] : memref<2x161792xf32, #tpu.memory_space<hbm>> -> memref<1x10112xf32, #tpu.memory_space<hbm>>
      %dma_wait3A_36 = tpu.memref_squeeze %dma_wait3A_35 : memref<1x10112xf32, #tpu.memory_space<hbm>> -> memref<10112xf32, #tpu.memory_space<hbm>>
      tpu.wait_dma2 semaphore(%run_scoped3A : memref<!tpu.dma_semaphore, #tpu.memory_space<semaphore_mem>>) src(%arg7 : memref<10112xf32, #tpu.memory_space<vmem>>) dst(%dma_wait3A_36 : memref<10112xf32, #tpu.memory_space<hbm>>)
      tpu.yield
    }) : () -> ()
    return
  }
}

#map = affine_map<(d0, d1) -> (0)>
#map1 = affine_map<(d0, d1) -> (0, 0, 0, 0)>
#map2 = affine_map<(d0, d1) -> (0, 0)>
module attributes {stable_mosaic.version = 14 : i64} {
  func.func @colsplit_kernel(%arg0: i32, %arg1: i32, %arg2: memref<323584xf32, #tpu.memory_space<hbm>>, %arg3: memref<2x20x2x8192xi32, #tpu.memory_space<hbm>>, %arg4: memref<323584xf32, #tpu.memory_space<hbm>>, %arg5: memref<2x323584xf32, #tpu.memory_space<hbm>>, %arg6: memref<20224xf32, #tpu.memory_space<vmem>>, %arg7: memref<20224xf32, #tpu.memory_space<vmem>>, %arg8: memref<2x2x8192xi32, #tpu.memory_space<vmem>>, %arg9: memref<2x!tpu.dma_semaphore, #tpu.memory_space<semaphore_mem>>) attributes {dimension_semantics = [#tpu.dimension_semantics<core_parallel>, #tpu.dimension_semantics<subcore_parallel>], iteration_bounds = array<i64: 2, 16>, scalar_prefetch = 0 : i64, scratch_operands = 4 : i64, tpu.core_type = #tpu.core_type<sc_vector_subcore>, window_params = [{transform_indices = #map}, {transform_indices = #map1}, {transform_indices = #map}, {transform_indices = #map2}]} {
    %dma_start3A = arith.constant 0 : i32
    %dma_start3A_0 = arith.constant 0 : i32
    %dma_start3A_1 = arith.constant 0 : i32
    %dma_start3A_2 = arith.constant 0 : i32
    %dma_start3A_3 = arith.constant 0 : i32
    %dma_start3A_4 = tpu.memref_slice %arg8[%dma_start3A_0, %dma_start3A_2, %dma_start3A_3] : memref<2x2x8192xi32, #tpu.memory_space<vmem>> -> memref<1x2x8192xi32, #tpu.memory_space<vmem>>
    %dma_start3A_5 = tpu.memref_squeeze %dma_start3A_4 : memref<1x2x8192xi32, #tpu.memory_space<vmem>> -> memref<2x8192xi32, #tpu.memory_space<vmem>>
    %dma_start3A_6 = arith.constant 0 : i32
    %dma_start3A_7 = arith.constant 0 : i32
    %dma_start3A_8 = tpu.memref_slice %arg3[%arg0, %dma_start3A, %dma_start3A_6, %dma_start3A_7] : memref<2x20x2x8192xi32, #tpu.memory_space<hbm>> -> memref<1x1x2x8192xi32, #tpu.memory_space<hbm>>
    %dma_start3A_9 = tpu.memref_squeeze %dma_start3A_8 : memref<1x1x2x8192xi32, #tpu.memory_space<hbm>> -> memref<2x8192xi32, #tpu.memory_space<hbm>>
    %dma_start3A_10 = tpu.memref_slice %arg9[%dma_start3A_1] : memref<2x!tpu.dma_semaphore, #tpu.memory_space<semaphore_mem>> -> memref<1x!tpu.dma_semaphore, #tpu.memory_space<semaphore_mem>>
    %dma_start3A_11 = tpu.memref_squeeze %dma_start3A_10 : memref<1x!tpu.dma_semaphore, #tpu.memory_space<semaphore_mem>> -> memref<!tpu.dma_semaphore, #tpu.memory_space<semaphore_mem>>
    %dma_start3A_12 = arith.constant 0 : i32
    %dma_start3A_13 = arith.constant 0 : i32
    %dma_start3A_14 = tpu.memref_slice %arg8[%dma_start3A_0, %dma_start3A_12, %dma_start3A_13] : memref<2x2x8192xi32, #tpu.memory_space<vmem>> -> memref<1x2x8192xi32, #tpu.memory_space<vmem>>
    %dma_start3A_15 = tpu.memref_squeeze %dma_start3A_14 : memref<1x2x8192xi32, #tpu.memory_space<vmem>> -> memref<2x8192xi32, #tpu.memory_space<vmem>>
    %dma_start3A_16 = arith.constant 0 : i32
    %dma_start3A_17 = arith.constant 0 : i32
    %dma_start3A_18 = tpu.memref_slice %arg3[%arg0, %dma_start3A, %dma_start3A_16, %dma_start3A_17] : memref<2x20x2x8192xi32, #tpu.memory_space<hbm>> -> memref<1x1x2x8192xi32, #tpu.memory_space<hbm>>
    %dma_start3A_19 = tpu.memref_squeeze %dma_start3A_18 : memref<1x1x2x8192xi32, #tpu.memory_space<hbm>> -> memref<2x8192xi32, #tpu.memory_space<hbm>>
    tpu.enqueue_dma source(%dma_start3A_19 : memref<2x8192xi32, #tpu.memory_space<hbm>>) target(%dma_start3A_15 : memref<2x8192xi32, #tpu.memory_space<vmem>>) target_semaphore(%dma_start3A_11 : memref<!tpu.dma_semaphore, #tpu.memory_space<semaphore_mem>>)
    %mul3A = arith.constant 20224 : i32
    %mul3A_20 = arith.muli %arg1, %mul3A : i32
    "tpu.region"() ({
      %run_scoped3A = tpu.sem_alloc : memref<!tpu.dma_semaphore, #tpu.memory_space<semaphore_mem>>
      %dma_start3A_30 = tpu.memref_slice %arg2[%mul3A_20] : memref<323584xf32, #tpu.memory_space<hbm>> -> memref<20224xf32, #tpu.memory_space<hbm>>
      %dma_start3A_31 = tpu.memref_slice %arg2[%mul3A_20] : memref<323584xf32, #tpu.memory_space<hbm>> -> memref<20224xf32, #tpu.memory_space<hbm>>
      tpu.enqueue_dma source(%dma_start3A_31 : memref<20224xf32, #tpu.memory_space<hbm>>) target(%arg6 : memref<20224xf32, #tpu.memory_space<vmem>>) target_semaphore(%run_scoped3A : memref<!tpu.dma_semaphore, #tpu.memory_space<semaphore_mem>>)
      %dma_wait3A = tpu.memref_slice %arg2[%mul3A_20] : memref<323584xf32, #tpu.memory_space<hbm>> -> memref<20224xf32, #tpu.memory_space<hbm>>
      %dma_wait3A_32 = tpu.memref_slice %arg2[%mul3A_20] : memref<323584xf32, #tpu.memory_space<hbm>> -> memref<20224xf32, #tpu.memory_space<hbm>>
      tpu.wait_dma2 semaphore(%run_scoped3A : memref<!tpu.dma_semaphore, #tpu.memory_space<semaphore_mem>>) src(%dma_wait3A_32 : memref<20224xf32, #tpu.memory_space<hbm>>) dst(%arg6 : memref<20224xf32, #tpu.memory_space<vmem>>)
      tpu.yield
    }) : () -> ()
    %mul3A_21 = arith.constant 20224 : i32
    %mul3A_22 = arith.muli %arg1, %mul3A_21 : i32
    "tpu.region"() ({
      %run_scoped3A = tpu.sem_alloc : memref<!tpu.dma_semaphore, #tpu.memory_space<semaphore_mem>>
      %dma_start3A_30 = tpu.memref_slice %arg4[%mul3A_22] : memref<323584xf32, #tpu.memory_space<hbm>> -> memref<20224xf32, #tpu.memory_space<hbm>>
      %dma_start3A_31 = tpu.memref_slice %arg4[%mul3A_22] : memref<323584xf32, #tpu.memory_space<hbm>> -> memref<20224xf32, #tpu.memory_space<hbm>>
      tpu.enqueue_dma source(%dma_start3A_31 : memref<20224xf32, #tpu.memory_space<hbm>>) target(%arg7 : memref<20224xf32, #tpu.memory_space<vmem>>) target_semaphore(%run_scoped3A : memref<!tpu.dma_semaphore, #tpu.memory_space<semaphore_mem>>)
      %dma_wait3A = tpu.memref_slice %arg4[%mul3A_22] : memref<323584xf32, #tpu.memory_space<hbm>> -> memref<20224xf32, #tpu.memory_space<hbm>>
      %dma_wait3A_32 = tpu.memref_slice %arg4[%mul3A_22] : memref<323584xf32, #tpu.memory_space<hbm>> -> memref<20224xf32, #tpu.memory_space<hbm>>
      tpu.wait_dma2 semaphore(%run_scoped3A : memref<!tpu.dma_semaphore, #tpu.memory_space<semaphore_mem>>) src(%dma_wait3A_32 : memref<20224xf32, #tpu.memory_space<hbm>>) dst(%arg7 : memref<20224xf32, #tpu.memory_space<vmem>>)
      tpu.yield
    }) : () -> ()
    %scan3A = arith.constant 0 : i32
    %scan3A_23 = arith.constant 0 : i32
    %scan3A_24 = arith.constant 20 : i32
    %scan3A_25 = arith.addi %scan3A_23, %scan3A_24 : i32
    %scan3A_26 = arith.constant 1 : i32
    scf.for %scan3A_30 = %scan3A_23 to %scan3A_25 step %scan3A_26  : i32 {
      %rem3A = arith.constant 2 : i32
      %rem3A_31 = arith.remsi %scan3A_30, %rem3A : i32
      %add3A = arith.constant 1 : i32
      %add3A_32 = arith.addi %scan3A_30, %add3A : i32
      %rem3A_33 = arith.constant 2 : i32
      %rem3A_34 = arith.remsi %add3A_32, %rem3A_33 : i32
      %dma_wait3A = arith.constant 0 : i32
      %dma_wait3A_35 = arith.constant 0 : i32
      %dma_wait3A_36 = tpu.memref_slice %arg8[%rem3A_31, %dma_wait3A, %dma_wait3A_35] : memref<2x2x8192xi32, #tpu.memory_space<vmem>> -> memref<1x2x8192xi32, #tpu.memory_space<vmem>>
      %dma_wait3A_37 = tpu.memref_squeeze %dma_wait3A_36 : memref<1x2x8192xi32, #tpu.memory_space<vmem>> -> memref<2x8192xi32, #tpu.memory_space<vmem>>
      %dma_wait3A_38 = arith.constant 0 : i32
      %dma_wait3A_39 = arith.constant 0 : i32
      %dma_wait3A_40 = tpu.memref_slice %arg3[%arg0, %scan3A_30, %dma_wait3A_38, %dma_wait3A_39] : memref<2x20x2x8192xi32, #tpu.memory_space<hbm>> -> memref<1x1x2x8192xi32, #tpu.memory_space<hbm>>
      %dma_wait3A_41 = tpu.memref_squeeze %dma_wait3A_40 : memref<1x1x2x8192xi32, #tpu.memory_space<hbm>> -> memref<2x8192xi32, #tpu.memory_space<hbm>>
      %dma_wait3A_42 = tpu.memref_slice %arg9[%rem3A_31] : memref<2x!tpu.dma_semaphore, #tpu.memory_space<semaphore_mem>> -> memref<1x!tpu.dma_semaphore, #tpu.memory_space<semaphore_mem>>
      %dma_wait3A_43 = tpu.memref_squeeze %dma_wait3A_42 : memref<1x!tpu.dma_semaphore, #tpu.memory_space<semaphore_mem>> -> memref<!tpu.dma_semaphore, #tpu.memory_space<semaphore_mem>>
      %dma_wait3A_44 = arith.constant 0 : i32
      %dma_wait3A_45 = arith.constant 0 : i32
      %dma_wait3A_46 = tpu.memref_slice %arg8[%rem3A_31, %dma_wait3A_44, %dma_wait3A_45] : memref<2x2x8192xi32, #tpu.memory_space<vmem>> -> memref<1x2x8192xi32, #tpu.memory_space<vmem>>
      %dma_wait3A_47 = tpu.memref_squeeze %dma_wait3A_46 : memref<1x2x8192xi32, #tpu.memory_space<vmem>> -> memref<2x8192xi32, #tpu.memory_space<vmem>>
      %dma_wait3A_48 = arith.constant 0 : i32
      %dma_wait3A_49 = arith.constant 0 : i32
      %dma_wait3A_50 = tpu.memref_slice %arg3[%arg0, %scan3A_30, %dma_wait3A_48, %dma_wait3A_49] : memref<2x20x2x8192xi32, #tpu.memory_space<hbm>> -> memref<1x1x2x8192xi32, #tpu.memory_space<hbm>>
      %dma_wait3A_51 = tpu.memref_squeeze %dma_wait3A_50 : memref<1x1x2x8192xi32, #tpu.memory_space<hbm>> -> memref<2x8192xi32, #tpu.memory_space<hbm>>
      tpu.wait_dma2 semaphore(%dma_wait3A_43 : memref<!tpu.dma_semaphore, #tpu.memory_space<semaphore_mem>>) src(%dma_wait3A_51 : memref<2x8192xi32, #tpu.memory_space<hbm>>) dst(%dma_wait3A_47 : memref<2x8192xi32, #tpu.memory_space<vmem>>)
      %add3A_52 = arith.constant 1 : i32
      %add3A_53 = arith.addi %scan3A_30, %add3A_52 : i32
      %lt3A = arith.constant 20 : i32
      %lt3A_54 = arith.cmpi slt, %add3A_53, %lt3A : i32
      %convert_element_type3A = arith.extui %lt3A_54 : i1 to i32
      %cond3A = arith.constant 0 : i32
      %cond3A_55 = arith.cmpi ne, %convert_element_type3A, %cond3A : i32
      scf.if %cond3A_55 {
        %add3A_58 = arith.constant 1 : i32
        %add3A_59 = arith.addi %scan3A_30, %add3A_58 : i32
        %dma_start3A_60 = arith.constant 0 : i32
        %dma_start3A_61 = arith.constant 0 : i32
        %dma_start3A_62 = tpu.memref_slice %arg8[%rem3A_34, %dma_start3A_60, %dma_start3A_61] : memref<2x2x8192xi32, #tpu.memory_space<vmem>> -> memref<1x2x8192xi32, #tpu.memory_space<vmem>>
        %dma_start3A_63 = tpu.memref_squeeze %dma_start3A_62 : memref<1x2x8192xi32, #tpu.memory_space<vmem>> -> memref<2x8192xi32, #tpu.memory_space<vmem>>
        %dma_start3A_64 = arith.constant 0 : i32
        %dma_start3A_65 = arith.constant 0 : i32
        %dma_start3A_66 = tpu.memref_slice %arg3[%arg0, %add3A_59, %dma_start3A_64, %dma_start3A_65] : memref<2x20x2x8192xi32, #tpu.memory_space<hbm>> -> memref<1x1x2x8192xi32, #tpu.memory_space<hbm>>
        %dma_start3A_67 = tpu.memref_squeeze %dma_start3A_66 : memref<1x1x2x8192xi32, #tpu.memory_space<hbm>> -> memref<2x8192xi32, #tpu.memory_space<hbm>>
        %dma_start3A_68 = tpu.memref_slice %arg9[%rem3A_34] : memref<2x!tpu.dma_semaphore, #tpu.memory_space<semaphore_mem>> -> memref<1x!tpu.dma_semaphore, #tpu.memory_space<semaphore_mem>>
        %dma_start3A_69 = tpu.memref_squeeze %dma_start3A_68 : memref<1x!tpu.dma_semaphore, #tpu.memory_space<semaphore_mem>> -> memref<!tpu.dma_semaphore, #tpu.memory_space<semaphore_mem>>
        %dma_start3A_70 = arith.constant 0 : i32
        %dma_start3A_71 = arith.constant 0 : i32
        %dma_start3A_72 = tpu.memref_slice %arg8[%rem3A_34, %dma_start3A_70, %dma_start3A_71] : memref<2x2x8192xi32, #tpu.memory_space<vmem>> -> memref<1x2x8192xi32, #tpu.memory_space<vmem>>
        %dma_start3A_73 = tpu.memref_squeeze %dma_start3A_72 : memref<1x2x8192xi32, #tpu.memory_space<vmem>> -> memref<2x8192xi32, #tpu.memory_space<vmem>>
        %dma_start3A_74 = arith.constant 0 : i32
        %dma_start3A_75 = arith.constant 0 : i32
        %dma_start3A_76 = tpu.memref_slice %arg3[%arg0, %add3A_59, %dma_start3A_74, %dma_start3A_75] : memref<2x20x2x8192xi32, #tpu.memory_space<hbm>> -> memref<1x1x2x8192xi32, #tpu.memory_space<hbm>>
        %dma_start3A_77 = tpu.memref_squeeze %dma_start3A_76 : memref<1x1x2x8192xi32, #tpu.memory_space<hbm>> -> memref<2x8192xi32, #tpu.memory_space<hbm>>
        tpu.enqueue_dma source(%dma_start3A_77 : memref<2x8192xi32, #tpu.memory_space<hbm>>) target(%dma_start3A_73 : memref<2x8192xi32, #tpu.memory_space<vmem>>) target_semaphore(%dma_start3A_69 : memref<!tpu.dma_semaphore, #tpu.memory_space<semaphore_mem>>)
      } else {
      }
      %parallel_loop3A = arith.constant 0 : i32
      %parallel_loop3A_56 = arith.constant 512 : i32
      %parallel_loop3A_57 = arith.constant 1 : i32
      scf.for %parallel_loop3A_58 = %parallel_loop3A to %parallel_loop3A_56 step %parallel_loop3A_57  : i32 {
        %parallel_loop3A_59 = arith.constant 16 : i32
        %parallel_loop3A_60 = arith.muli %parallel_loop3A_58, %parallel_loop3A_59 : i32
        %parallel_loop3A_61 = arith.constant 0 : i32
        %parallel_loop3A_62 = arith.index_cast %rem3A_31 : i32 to index
        %parallel_loop3A_63 = arith.index_cast %parallel_loop3A_61 : i32 to index
        %parallel_loop3A_64 = arith.index_cast %parallel_loop3A_60 : i32 to index
        %parallel_loop3A_65 = tpu.vector_load %arg8[%parallel_loop3A_62, %parallel_loop3A_63, %parallel_loop3A_64] {strides = array<i32>} : memref<2x2x8192xi32, #tpu.memory_space<vmem>>, vector<16xi32>,
        %parallel_loop3A_66 = arith.constant 16 : i32
        %parallel_loop3A_67 = arith.muli %parallel_loop3A_58, %parallel_loop3A_66 : i32
        %parallel_loop3A_68 = arith.constant 1 : i32
        %parallel_loop3A_69 = arith.index_cast %rem3A_31 : i32 to index
        %parallel_loop3A_70 = arith.index_cast %parallel_loop3A_68 : i32 to index
        %parallel_loop3A_71 = arith.index_cast %parallel_loop3A_67 : i32 to index
        %parallel_loop3A_72 = tpu.vector_load %arg8[%parallel_loop3A_69, %parallel_loop3A_70, %parallel_loop3A_71] {strides = array<i32>} : memref<2x2x8192xi32, #tpu.memory_space<vmem>>, vector<16xi32>,
        %parallel_loop3A_73 = tpu.vector_load_idx %arg6[%parallel_loop3A_65] : memref<20224xf32, #tpu.memory_space<vmem>>[vector<16xi32>], vector<16xf32>,
        tpu.vector_store_idx %arg7[%parallel_loop3A_72], %parallel_loop3A_73 {add = true} : memref<20224xf32, #tpu.memory_space<vmem>>[vector<16xi32>], vector<16xf32>,
        %parallel_loop3A_74 = arith.constant 10112 : i32
        %parallel_loop3A_75 = vector.broadcast %parallel_loop3A_74 : i32 to vector<16xi32>
        %parallel_loop3A_76 = arith.addi %parallel_loop3A_65, %parallel_loop3A_75 : vector<16xi32>
        %parallel_loop3A_77 = arith.addi %parallel_loop3A_72, %parallel_loop3A_75 : vector<16xi32>
        %parallel_loop3A_78 = tpu.vector_load_idx %arg6[%parallel_loop3A_76] : memref<20224xf32, #tpu.memory_space<vmem>>[vector<16xi32>], vector<16xf32>,
        tpu.vector_store_idx %arg7[%parallel_loop3A_77], %parallel_loop3A_78 {add = true} : memref<20224xf32, #tpu.memory_space<vmem>>[vector<16xi32>], vector<16xf32>,
      } {sc.loop_unroll_factor = 8 : i64, sc.parallel_access}
    }
    %scan3A_27 = arith.constant 20 : i32
    %mul3A_28 = arith.constant 20224 : i32
    %mul3A_29 = arith.muli %arg1, %mul3A_28 : i32
    "tpu.region"() ({
      %run_scoped3A = tpu.sem_alloc : memref<!tpu.dma_semaphore, #tpu.memory_space<semaphore_mem>>
      %dma_start3A_30 = tpu.memref_slice %arg5[%arg0, %mul3A_29] : memref<2x323584xf32, #tpu.memory_space<hbm>> -> memref<1x20224xf32, #tpu.memory_space<hbm>>
      %dma_start3A_31 = tpu.memref_squeeze %dma_start3A_30 : memref<1x20224xf32, #tpu.memory_space<hbm>> -> memref<20224xf32, #tpu.memory_space<hbm>>
      %dma_start3A_32 = tpu.memref_slice %arg5[%arg0, %mul3A_29] : memref<2x323584xf32, #tpu.memory_space<hbm>> -> memref<1x20224xf32, #tpu.memory_space<hbm>>
      %dma_start3A_33 = tpu.memref_squeeze %dma_start3A_32 : memref<1x20224xf32, #tpu.memory_space<hbm>> -> memref<20224xf32, #tpu.memory_space<hbm>>
      tpu.enqueue_dma source(%arg7 : memref<20224xf32, #tpu.memory_space<vmem>>) target(%dma_start3A_33 : memref<20224xf32, #tpu.memory_space<hbm>>) target_semaphore(%run_scoped3A : memref<!tpu.dma_semaphore, #tpu.memory_space<semaphore_mem>>)
      %dma_wait3A = tpu.memref_slice %arg5[%arg0, %mul3A_29] : memref<2x323584xf32, #tpu.memory_space<hbm>> -> memref<1x20224xf32, #tpu.memory_space<hbm>>
      %dma_wait3A_34 = tpu.memref_squeeze %dma_wait3A : memref<1x20224xf32, #tpu.memory_space<hbm>> -> memref<20224xf32, #tpu.memory_space<hbm>>
      %dma_wait3A_35 = tpu.memref_slice %arg5[%arg0, %mul3A_29] : memref<2x323584xf32, #tpu.memory_space<hbm>> -> memref<1x20224xf32, #tpu.memory_space<hbm>>
      %dma_wait3A_36 = tpu.memref_squeeze %dma_wait3A_35 : memref<1x20224xf32, #tpu.memory_space<hbm>> -> memref<20224xf32, #tpu.memory_space<hbm>>
      tpu.wait_dma2 semaphore(%run_scoped3A : memref<!tpu.dma_semaphore, #tpu.memory_space<semaphore_mem>>) src(%arg7 : memref<20224xf32, #tpu.memory_space<vmem>>) dst(%dma_wait3A_36 : memref<20224xf32, #tpu.memory_space<hbm>>)
      tpu.yield
    }) : () -> ()
    return
  }
}

module attributes {stable_mosaic.version = 14 : i64} {
  func.func @_dense1_body(%arg0: memref<2x10112x16xf32, #tpu.memory_space<vmem>>, %arg1: memref<10112x128xf32, #tpu.memory_space<vmem>>, %arg2: memref<128x32xf32, #tpu.memory_space<vmem>>, %arg3: memref<32x32xf32, #tpu.memory_space<vmem>>, %arg4: memref<32x10112xf32, #tpu.memory_space<vmem>>, %arg5: memref<10112x32xf32, #tpu.memory_space<vmem>>, %arg6: memref<10112x1xf32, #tpu.memory_space<vmem>>) attributes {dimension_semantics = [], scalar_prefetch = 0 : i64, scratch_operands = 0 : i64, tpu.core_type = #tpu.core_type<tc>} {
    %get3A = arith.constant 0 : index
    %get3A_0 = arith.constant 0 : index
    %get3A_1 = arith.constant 0 : index
    %get3A_2 = vector.load %arg0[%get3A, %get3A_0, %get3A_1] : memref<2x10112x16xf32, #tpu.memory_space<vmem>>, vector<1x10112x1xf32>
    %get3A_3 = vector.shape_cast %get3A_2 : vector<1x10112x1xf32> to vector<10112x1xf32>
    %get3A_4 = arith.constant 1 : index
    %get3A_5 = arith.constant 0 : index
    %get3A_6 = arith.constant 0 : index
    %get3A_7 = vector.load %arg0[%get3A_4, %get3A_5, %get3A_6] : memref<2x10112x16xf32, #tpu.memory_space<vmem>>, vector<1x10112x1xf32>
    %get3A_8 = vector.shape_cast %get3A_7 : vector<1x10112x1xf32> to vector<10112x1xf32>
    %add3A = arith.addf %get3A_3, %get3A_8 : vector<10112x1xf32>
    %add3A_9 = arith.constant 1.000000e+00 : f32
    %add3A_10 = vector.broadcast %add3A_9 : f32 to vector<10112x1xf32>
    %add3A_11 = arith.addf %add3A, %add3A_10 : vector<10112x1xf32>
    %rsqrt3A = math.rsqrt %add3A_11 : vector<10112x1xf32>
    %swap3A = arith.constant 0 : index
    %swap3A_12 = arith.constant 0 : index
    %swap3A_13 = vector.load %arg6[%swap3A, %swap3A_12] : memref<10112x1xf32, #tpu.memory_space<vmem>>, vector<10112x1xf32>
    tpu.vector_store %arg6[%swap3A, %swap3A_12], %rsqrt3A {strides = array<i32>} : memref<10112x1xf32, #tpu.memory_space<vmem>>, vector<10112x1xf32>,
    %get3A_14 = arith.constant 0 : index
    %get3A_15 = arith.constant 0 : index
    %get3A_16 = vector.load %arg1[%get3A_14, %get3A_15] : memref<10112x128xf32, #tpu.memory_space<vmem>>, vector<10112x128xf32>
    %get3A_17 = arith.constant 0 : index
    %get3A_18 = arith.constant 0 : index
    %get3A_19 = vector.load %arg2[%get3A_17, %get3A_18] : memref<128x32xf32, #tpu.memory_space<vmem>>, vector<128x32xf32>
    %dot_general3A = arith.constant dense<0.000000e+00> : vector<10112x32xf32>
    %dot_general3A_20 = tpu.matmul %get3A_16, %get3A_19, %dot_general3A {dimension_numbers = #tpu.dot_dimension_numbers<[1], [0], [0], [1], [0, 0, 1, 1], [], []>, transpose_lhs_hint = false} : vector<10112x128xf32>, vector<128x32xf32>, vector<10112x32xf32> -> vector<10112x32xf32>
    %mul3A = vector.broadcast %rsqrt3A : vector<10112x1xf32> to vector<10112x32xf32>
    %mul3A_21 = arith.mulf %dot_general3A_20, %mul3A : vector<10112x32xf32>
    %swap3A_22 = arith.constant 0 : index
    %swap3A_23 = arith.constant 0 : index
    %swap3A_24 = vector.load %arg5[%swap3A_22, %swap3A_23] : memref<10112x32xf32, #tpu.memory_space<vmem>>, vector<10112x32xf32>
    tpu.vector_store %arg5[%swap3A_22, %swap3A_23], %mul3A_21 {strides = array<i32>} : memref<10112x32xf32, #tpu.memory_space<vmem>>, vector<10112x32xf32>,
    %get3A_25 = arith.constant 0 : index
    %get3A_26 = arith.constant 0 : index
    %get3A_27 = vector.load %arg3[%get3A_25, %get3A_26] : memref<32x32xf32, #tpu.memory_space<vmem>>, vector<32x32xf32>
    %dot_general3A_28 = arith.constant dense<0.000000e+00> : vector<32x10112xf32>
    %dot_general3A_29 = tpu.matmul %get3A_27, %mul3A_21, %dot_general3A_28 {dimension_numbers = #tpu.dot_dimension_numbers<[1], [1], [0], [0], [0, 0, 1, 0], [], []>, precision = #tpu.contract_precision<fp32>, transpose_lhs_hint = false} : vector<32x32xf32>, vector<10112x32xf32>, vector<32x10112xf32> -> vector<32x10112xf32>
    %swap3A_30 = arith.constant 0 : index
    %swap3A_31 = arith.constant 0 : index
    %swap3A_32 = vector.load %arg4[%swap3A_30, %swap3A_31] : memref<32x10112xf32, #tpu.memory_space<vmem>>, vector<32x10112xf32>
    tpu.vector_store %arg4[%swap3A_30, %swap3A_31], %dot_general3A_29 {strides = array<i32>} : memref<32x10112xf32, #tpu.memory_space<vmem>>, vector<32x10112xf32>,
    return
  }
}

module attributes {stable_mosaic.version = 14 : i64} {
  func.func @_mid_body(%arg0: memref<2x32x10112xf32, #tpu.memory_space<vmem>>, %arg1: memref<10112x32xf32, #tpu.memory_space<vmem>>, %arg2: memref<10112x1xf32, #tpu.memory_space<vmem>>, %arg3: memref<1x32xf32, #tpu.memory_space<vmem>>, %arg4: memref<32x16xf32, #tpu.memory_space<vmem>>, %arg5: memref<32x32xf32, #tpu.memory_space<vmem>>, %arg6: memref<16x16xf32, #tpu.memory_space<vmem>>, %arg7: memref<16x10112xf32, #tpu.memory_space<vmem>>, %arg8: memref<10112x16xf32, #tpu.memory_space<vmem>>) attributes {dimension_semantics = [], scalar_prefetch = 0 : i64, scratch_operands = 0 : i64, tpu.core_type = #tpu.core_type<tc>} {
    %get3A = arith.constant 0 : index
    %get3A_0 = arith.constant 0 : index
    %get3A_1 = vector.load %arg2[%get3A, %get3A_0] : memref<10112x1xf32, #tpu.memory_space<vmem>>, vector<10112x1xf32>
    %get3A_2 = arith.constant 0 : index
    %get3A_3 = arith.constant 0 : index
    %get3A_4 = arith.constant 0 : index
    %get3A_5 = vector.load %arg0[%get3A_2, %get3A_3, %get3A_4] : memref<2x32x10112xf32, #tpu.memory_space<vmem>>, vector<1x32x10112xf32>
    %get3A_6 = vector.shape_cast %get3A_5 : vector<1x32x10112xf32> to vector<32x10112xf32>
    %get3A_7 = arith.constant 1 : index
    %get3A_8 = arith.constant 0 : index
    %get3A_9 = arith.constant 0 : index
    %get3A_10 = vector.load %arg0[%get3A_7, %get3A_8, %get3A_9] : memref<2x32x10112xf32, #tpu.memory_space<vmem>>, vector<1x32x10112xf32>
    %get3A_11 = vector.shape_cast %get3A_10 : vector<1x32x10112xf32> to vector<32x10112xf32>
    %add3A = arith.addf %get3A_6, %get3A_11 : vector<32x10112xf32>
    %get3A_12 = arith.constant 0 : index
    %get3A_13 = arith.constant 0 : index
    %get3A_14 = vector.load %arg5[%get3A_12, %get3A_13] : memref<32x32xf32, #tpu.memory_space<vmem>>, vector<32x32xf32>
    %dot_general3A = arith.constant dense<0.000000e+00> : vector<10112x32xf32>
    %dot_general3A_15 = tpu.matmul %add3A, %get3A_14, %dot_general3A {dimension_numbers = #tpu.dot_dimension_numbers<[0], [0], [1], [1], [0, 1, 1, 1], [], []>, precision = #tpu.contract_precision<fp32>, transpose_lhs_hint = false} : vector<32x10112xf32>, vector<32x32xf32>, vector<10112x32xf32> -> vector<10112x32xf32>
    %get3A_16 = arith.constant 0 : index
    %get3A_17 = arith.constant 0 : index
    %get3A_18 = vector.load %arg1[%get3A_16, %get3A_17] : memref<10112x32xf32, #tpu.memory_space<vmem>>, vector<10112x32xf32>
    %add3A_19 = arith.addf %dot_general3A_15, %get3A_18 : vector<10112x32xf32>
    %mul3A = vector.broadcast %get3A_1 : vector<10112x1xf32> to vector<10112x32xf32>
    %mul3A_20 = arith.mulf %mul3A, %add3A_19 : vector<10112x32xf32>
    %get3A_21 = arith.constant 0 : index
    %get3A_22 = arith.constant 0 : index
    %get3A_23 = vector.load %arg3[%get3A_21, %get3A_22] : memref<1x32xf32, #tpu.memory_space<vmem>>, vector<1x32xf32>
    %add3A_24 = vector.broadcast %get3A_23 : vector<1x32xf32> to vector<10112x32xf32>
    %add3A_25 = arith.addf %mul3A_20, %add3A_24 : vector<10112x32xf32>
    %max3A = arith.constant 0.000000e+00 : f32
    %max3A_26 = vector.broadcast %max3A : f32 to vector<10112x32xf32>
    %max3A_27 = arith.maximumf %add3A_25, %max3A_26 : vector<10112x32xf32>
    %get3A_28 = arith.constant 0 : index
    %get3A_29 = arith.constant 0 : index
    %get3A_30 = vector.load %arg4[%get3A_28, %get3A_29] : memref<32x16xf32, #tpu.memory_space<vmem>>, vector<32x16xf32>
    %dot_general3A_31 = arith.constant dense<0.000000e+00> : vector<10112x16xf32>
    %dot_general3A_32 = tpu.matmul %max3A_27, %get3A_30, %dot_general3A_31 {dimension_numbers = #tpu.dot_dimension_numbers<[1], [0], [0], [1], [0, 0, 1, 1], [], []>, transpose_lhs_hint = false} : vector<10112x32xf32>, vector<32x16xf32>, vector<10112x16xf32> -> vector<10112x16xf32>
    %mul3A_33 = vector.broadcast %get3A_1 : vector<10112x1xf32> to vector<10112x16xf32>
    %mul3A_34 = arith.mulf %dot_general3A_32, %mul3A_33 : vector<10112x16xf32>
    %swap3A = arith.constant 0 : index
    %swap3A_35 = arith.constant 0 : index
    %swap3A_36 = vector.load %arg8[%swap3A, %swap3A_35] : memref<10112x16xf32, #tpu.memory_space<vmem>>, vector<10112x16xf32>
    tpu.vector_store %arg8[%swap3A, %swap3A_35], %mul3A_34 {strides = array<i32>} : memref<10112x16xf32, #tpu.memory_space<vmem>>, vector<10112x16xf32>,
    %get3A_37 = arith.constant 0 : index
    %get3A_38 = arith.constant 0 : index
    %get3A_39 = vector.load %arg6[%get3A_37, %get3A_38] : memref<16x16xf32, #tpu.memory_space<vmem>>, vector<16x16xf32>
    %dot_general3A_40 = arith.constant dense<0.000000e+00> : vector<16x10112xf32>
    %dot_general3A_41 = tpu.matmul %get3A_39, %mul3A_34, %dot_general3A_40 {dimension_numbers = #tpu.dot_dimension_numbers<[1], [1], [0], [0], [0, 0, 1, 0], [], []>, precision = #tpu.contract_precision<fp32>, transpose_lhs_hint = false} : vector<16x16xf32>, vector<10112x16xf32>, vector<16x10112xf32> -> vector<16x10112xf32>
    %swap3A_42 = arith.constant 0 : index
    %swap3A_43 = arith.constant 0 : index
    %swap3A_44 = vector.load %arg7[%swap3A_42, %swap3A_43] : memref<16x10112xf32, #tpu.memory_space<vmem>>, vector<16x10112xf32>
    tpu.vector_store %arg7[%swap3A_42, %swap3A_43], %dot_general3A_41 {strides = array<i32>} : memref<16x10112xf32, #tpu.memory_space<vmem>>, vector<16x10112xf32>,
    return
  }
}

module attributes {stable_mosaic.version = 14 : i64} {
  func.func @_final_body(%arg0: memref<2x16x10112xf32, #tpu.memory_space<vmem>>, %arg1: memref<10112x16xf32, #tpu.memory_space<vmem>>, %arg2: memref<10112x1xf32, #tpu.memory_space<vmem>>, %arg3: memref<1x16xf32, #tpu.memory_space<vmem>>, %arg4: memref<16x16xf32, #tpu.memory_space<vmem>>, %arg5: memref<10000x16xf32, #tpu.memory_space<vmem>>) attributes {dimension_semantics = [], scalar_prefetch = 0 : i64, scratch_operands = 0 : i64, tpu.core_type = #tpu.core_type<tc>} {
    %get3A = arith.constant 0 : index
    %get3A_0 = arith.constant 0 : index
    %get3A_1 = arith.constant 0 : index
    %get3A_2 = vector.load %arg0[%get3A, %get3A_0, %get3A_1] : memref<2x16x10112xf32, #tpu.memory_space<vmem>>, vector<1x16x10112xf32>
    %get3A_3 = vector.shape_cast %get3A_2 : vector<1x16x10112xf32> to vector<16x10112xf32>
    %get3A_4 = arith.constant 1 : index
    %get3A_5 = arith.constant 0 : index
    %get3A_6 = arith.constant 0 : index
    %get3A_7 = vector.load %arg0[%get3A_4, %get3A_5, %get3A_6] : memref<2x16x10112xf32, #tpu.memory_space<vmem>>, vector<1x16x10112xf32>
    %get3A_8 = vector.shape_cast %get3A_7 : vector<1x16x10112xf32> to vector<16x10112xf32>
    %add3A = arith.addf %get3A_3, %get3A_8 : vector<16x10112xf32>
    %get3A_9 = arith.constant 0 : index
    %get3A_10 = arith.constant 0 : index
    %get3A_11 = vector.load %arg4[%get3A_9, %get3A_10] : memref<16x16xf32, #tpu.memory_space<vmem>>, vector<16x16xf32>
    %dot_general3A = arith.constant dense<0.000000e+00> : vector<10112x16xf32>
    %dot_general3A_12 = tpu.matmul %add3A, %get3A_11, %dot_general3A {dimension_numbers = #tpu.dot_dimension_numbers<[0], [0], [1], [1], [0, 1, 1, 1], [], []>, precision = #tpu.contract_precision<fp32>, transpose_lhs_hint = false} : vector<16x10112xf32>, vector<16x16xf32>, vector<10112x16xf32> -> vector<10112x16xf32>
    %get3A_13 = arith.constant 0 : index
    %get3A_14 = arith.constant 0 : index
    %get3A_15 = vector.load %arg2[%get3A_13, %get3A_14] : memref<10112x1xf32, #tpu.memory_space<vmem>>, vector<10112x1xf32>
    %get3A_16 = arith.constant 0 : index
    %get3A_17 = arith.constant 0 : index
    %get3A_18 = vector.load %arg1[%get3A_16, %get3A_17] : memref<10112x16xf32, #tpu.memory_space<vmem>>, vector<10112x16xf32>
    %add3A_19 = arith.addf %dot_general3A_12, %get3A_18 : vector<10112x16xf32>
    %mul3A = vector.broadcast %get3A_15 : vector<10112x1xf32> to vector<10112x16xf32>
    %mul3A_20 = arith.mulf %mul3A, %add3A_19 : vector<10112x16xf32>
    %get3A_21 = arith.constant 0 : index
    %get3A_22 = arith.constant 0 : index
    %get3A_23 = vector.load %arg3[%get3A_21, %get3A_22] : memref<1x16xf32, #tpu.memory_space<vmem>>, vector<1x16xf32>
    %add3A_24 = vector.broadcast %get3A_23 : vector<1x16xf32> to vector<10112x16xf32>
    %add3A_25 = arith.addf %mul3A_20, %add3A_24 : vector<10112x16xf32>
    %slice3A = vector.extract_strided_slice %add3A_25 {offsets = [0, 0], sizes = [10000, 16], strides = [1, 1]} : vector<10112x16xf32> to vector<10000x16xf32>
    %swap3A = arith.constant 0 : index
    %swap3A_26 = arith.constant 0 : index
    %swap3A_27 = vector.load %arg5[%swap3A, %swap3A_26] : memref<10000x16xf32, #tpu.memory_space<vmem>>, vector<10000x16xf32>
    tpu.vector_store %arg5[%swap3A, %swap3A_26], %slice3A {strides = array<i32>} : memref<10000x16xf32, #tpu.memory_space<vmem>>, vector<10000x16xf32>,
    return
  }
}

</mosaic_0001>

<sc_bundles>
// kernel: kernel.11.cloned.1.call-start
scs
__scs_entry_jumppad:
0x0: {  	(pc) =	sbr.rel $0x88, $3  }
0x1: {  	(tag) =	ssettag $0x0;
	lr =	simm.s32 $0x1  }
0x2: {  	[smem:$0x3F9B] =	sst lr;
	_ =	strace $0xD0000000  }
0x3: {  	_ = 	snop  }
0x4: {  	_ = 	snop  }
0x5: {  	_ = 	snop  }
0x6: {  	_ = 	snop  }
0x7: {  	_ = 	snop  }
__scs_overlays_trampoline_lowered:
0x8: {  	[smem:$0x3FAA] =	sst s0  }
0x9: {  	[smem:$0x3FAB] =	sst s1  }
0xa: {  	[smem:$0x3FAC] =	sst s2  }
0xb: {  	[smem:$0x3FAD] =	sst s3  }
0xc: {  	[smem:$0x3FAE] =	sst s4  }
0xd: {  	[smem:$0x3FAF] =	sst s5  }
0xe: {  	[smem:$0x3FB0] =	sst s6  }
0xf: {  	[smem:$0x3FB1] =	sst s7  }
0x10: {  	[smem:$0x3FB2] =	sst s8  }
0x11: {  	[smem:$0x3FB3] =	sst s9;
	s0 =	simm.s32 @!p0 $0x0  }
0x12: {  	s1 =	sld [smem:$0x3F99];
	s0 =	simm.s32 @p0 $0x1  }
0x13: {  	[smem:$0x3FB4] =	sst s0;
	s0 =	simm.s32 @!p1 $0x0  }
0x14: {  	s2 =	sld [smem:$0x3F98];
	s0 =	simm.s32 @p1 $0x1  }
0x15: {  	[smem:$0x3FB5] =	sst s0;
	s0 =	simm.s32 @!p2 $0x0  }
0x16: {  	s3 =	sld [smem:$0x3FDB];
	s0 =	simm.s32 @p2 $0x1  }
0x17: {  	s4 =	simm.s32 $0x1BF5;
	[smem:$0x3FB7] =	sst s0  }
0x18: {  	s0 =	sld [smem:$0x3F9A];
	_ =	swait.ge [sflag:s4], $0x0  }
0x19: {  	s7 =	sld [smem:$0x3F9B]  }
0x1a: {  	s8 =	sadd.s32 $0xFFFFE003, lr  }
0x1b: {  	s9 =	sadd.s32 $0xFFFFFEF7, lr;
	s5 =	simm.s32 $0xFFFFFFFF;
	p2 =	slt.u32 s8, $0xFFFFF086  }
0x1c: {  	p1 =	slt.u32 s9, $0xF7A;
	s5 =	simm.s32 @!p2 $0x0  }
0x1d: {  	s5 =	simm.s32 @p1 $0x1;
	p0 =	seq.s32 s7, s2  }
0x1e: {  	s7 =	smul.u32 @!p0 $0xF7A, s2;
	p2 =	seq.s32 @!p0 s5, $0x0  }
0x1f: {  	s9 =	smul.u32 $0xF7A, s1;
	s8 =	simm.s32 @!p0 $0x1BF5;
	p2 =	por !p2, p0  }
0x20: {  	[sflag:s8] =	ssyncset.s32 @!p0 $0xFFFFF086;
	s6 =	sadd.s32 @!p0 s3, s7;
	s7 =	simm.s32 @!p0 $0x108  }
0x21: {  	s3 =	sadd.s32 s3, s9;
	s6 =	sadd.s32 @!p0 $0x88, s6;
	s7 =	simm.s32 @p2 $0x1082  }
0x22: {  	[simem:s7], [sflag:s8] =	dma.local @!p0 [hbm:s6], $0xF7A  }
0x23: {  	s9 =	sor.u32 $0xD0000000, s2;
	s6 =	simm.s32 $0x108;
	_ =	swait.ge @!p0 [sflag:s8], $0x0  }
0x24: {  	s3 =	sadd.s32 $0x88, s3;
	s6 =	simm.s32 @!p1 $0x1082;
	[sflag:s4] =	ssyncset.s32 $0xFFFFF086  }
0x25: {  	[simem:s6], [sflag:s4] =	dma.local [hbm:s3], $0xF7A  }
0x26: {  	[smem:$0x3F9B] =	sst s1;
	(tag) =	ssettag s2;
	_ =	strace s9  }
0x27: {  	s1 =	sld [smem:$0x3FAB]  }
0x28: {  	s2 =	sld [smem:$0x3FAC]  }
0x29: {  	s4 =	sld [smem:$0x3FAE]  }
0x2a: {  	p0 =	seq.s32 s5, $0x0;
	s5 =	sld [smem:$0x3FAF]  }
0x2b: {  	s6 =	sld [smem:$0x3FB0]  }
0x2c: {  	s7 =	sld [smem:$0x3FB1]  }
0x2d: {  	s3 =	simm.s32 $0x108;
	s8 =	sld [smem:$0x3FB2]  }
0x2e: {  	s3 =	simm.s32 @!p0 $0x1082;
	s9 =	sld [smem:$0x3FB3]  }
0x2f: {  	lr =	sadd.s32 s0, s3;
	s0 =	sld [smem:$0x3FAA]  }
0x30: {  	s3 =	sld [smem:$0x3FAD]  }
0x31: {  	[smem:$0x3FB6] =	sst s10  }
0x32: {  	s10 =	sld [smem:$0x3FB4];
	_ =	sdelay $0x3  }
0x33: {  	p0 =	seq.s32 s10, $0x1;
	s10 =	sld [smem:$0x3FB6];
	_ =	sdelay $0x3  }
0x34: {  	[smem:$0x3FB6] =	sst s10  }
0x35: {  	s10 =	sld [smem:$0x3FB5];
	_ =	sdelay $0x3  }
0x36: {  	p1 =	seq.s32 s10, $0x1;
	s10 =	sld [smem:$0x3FB6];
	_ =	sdelay $0x3  }
0x37: {  	[smem:$0x3FB6] =	sst s10  }
0x38: {  	s10 =	sld [smem:$0x3FB7]  }
0x39: {  	_ = 	snop;
	(pc) =	sbr.ind lr, $3  }
0x3a: {  	_ = 	snop  }
0x3b: {  	_ = 	snop  }
0x3c: {  	p2 =	seq.s32 s10, $0x1;
	s10 =	sld [smem:$0x3FB6]  }
0x3d: {  	_ =	shalt  }
0x3e: {  	_ =	shalt  }
0x3f: {  	_ =	shalt  }
0x40: {  	_ =	shalt  }
0x41: {  	_ =	shalt  }
0x42: {  	_ =	shalt  }
0x43: {  	_ =	shalt  }
0x44: {  	_ =	shalt  }
0x45: {  	_ =	shalt  }
0x46: {  	_ =	shalt  }
0x47: {  	_ =	shalt  }
0x48: {  	_ =	shalt  }
0x49: {  	_ =	shalt  }
0x4a: {  	_ =	shalt  }
0x4b: {  	_ =	shalt  }
0x4c: {  	_ =	shalt  }
0x4d: {  	_ =	shalt  }
0x4e: {  	_ =	shalt  }
0x4f: {  	_ =	shalt  }
0x50: {  	_ =	shalt  }
0x51: {  	_ =	shalt  }
0x52: {  	_ =	shalt  }
0x53: {  	_ =	shalt  }
0x54: {  	_ =	shalt  }
0x55: {  	_ =	shalt  }
0x56: {  	_ =	shalt  }
0x57: {  	_ =	shalt  }
0x58: {  	_ =	shalt  }
0x59: {  	_ =	shalt  }
0x5a: {  	_ =	shalt  }
0x5b: {  	_ =	shalt  }
0x5c: {  	_ =	shalt  }
0x5d: {  	_ =	shalt  }
0x5e: {  	_ =	shalt  }
0x5f: {  	_ =	shalt  }
0x60: {  	_ =	shalt  }
0x61: {  	_ =	shalt  }
0x62: {  	_ =	shalt  }
0x63: {  	_ =	shalt  }
0x64: {  	_ =	shalt  }
0x65: {  	_ =	shalt  }
0x66: {  	_ =	shalt  }
0x67: {  	_ =	shalt  }
0x68: {  	_ =	shalt  }
0x69: {  	_ =	shalt  }
0x6a: {  	_ =	shalt  }
0x6b: {  	_ =	shalt  }
0x6c: {  	_ =	shalt  }
0x6d: {  	_ =	shalt  }
0x6e: {  	_ =	shalt  }
0x6f: {  	_ =	shalt  }
0x70: {  	_ =	shalt  }
0x71: {  	_ =	shalt  }
0x72: {  	_ =	shalt  }
0x73: {  	_ =	shalt  }
0x74: {  	_ =	shalt  }
0x75: {  	_ =	shalt  }
0x76: {  	_ =	shalt  }
0x77: {  	_ =	shalt  }
0x78: {  	_ =	shalt  }
0x79: {  	_ =	shalt  }
0x7a: {  	_ =	shalt  }
0x7b: {  	_ =	shalt  }
0x7c: {  	_ =	shalt  }
0x7d: {  	_ =	shalt  }
0x7e: {  	_ =	shalt  }
0x7f: {  	_ =	shalt  }
0x80: {  	_ =	shalt  }
0x81: {  	_ =	shalt  }
0x82: {  	_ =	shalt  }
0x83: {  	_ =	shalt  }
0x84: {  	_ =	shalt  }
0x85: {  	_ =	shalt  }
0x86: {  	_ =	shalt  }
0x87: {  	_ =	shalt  }
.Lfunc_end0:
.L_simem_size_0:
called_computation.1_lowered:
.L_overlay_start_0:
0x88: {  	s2 =	sld [smem:$0x3FD9]  }
0x89: {  	s3 =	sld [smem:$0x3FFE];
	_ =	sdelay $0x1  }
0x8a: {  	s1 =	srdreg.scid  }
0x8b: {  	s0 =	sand.u32 $0x1, s1  }
0x8c: {  	s16 =	sshll.u32 s0, $0xA;
	s2 =	sadd.s32 s3, s2  }
0x8d: {  	s2 =	sadd.s32 s2, s16  }
0x8e: {  	[smem:$0x3FC2] =	sst s2  }
0x8f: {  	_ = 	snop  }
0x90: {  	(tm) =	ssettm $0x1  }
0x91: {  	s17 =	sld [smem:$0x3FFB];
	_ =	sdelay $0x3  }
0x92: {  	_ =	strace s17  }
0x93: {  	s2 =	sld [smem:$0x3FFC];
	_ =	sdelay $0x3  }
0x94: {  	_ =	strace s2  }
0x95: {  	s2 =	sld [smem:$0x3FFD];
	_ =	sdelay $0x3  }
0x96: {  	_ =	strace s2  }
0x97: {  	_ =	strace $0x8FFFFFFF  }
0x98: {  	s18 =	sld [smem:$0x3FDB];
	_ =	sdelay $0x1  }
0x99: {  	s19 =	simm.s32 $_scs_section_size  }
0x9a: {  	s4 =	simm.s32 $_size__tile_overlayer_lowered;
	s5 =	simm.s32 $_tile_overlayer_lowered  }
0x9b: {  	s22 =	simm.s32 $0x1BFF;
	s21 =	sshll.u32 s5, $0x1;
	s2 =	sadd.s32 s19, s18  }
0x9c: {  	s6 =	simm.s32 $0x0;
	s20 =	sshll.u32 s4, $0x1;
	s4 =	sadd.s32 s21, s2  }
0x9d: {  	[timem:s6], [sflag:s22] =	dma.local [hbm:s4], s20  }
0x9e: {  	_ =	swait.ge [sflag:s22], s20  }
0x9f: {  	s3 =	ssub.s32 $0x0, s20;
	[sflag:s22] =	ssyncset.done $0x0  }
0xa0: {  	[sflag:s22] =	ssyncadd.s32 s3;
	_ =	sdelay $0x1  }
0xa1: {  	s23 =	simm.s32 $0x1B8B  }
0xa2: {  	_ =	swait.ge [sflag:s23], $0x1  }
0xa3: {  	[sflag:s23] =	ssyncset.done $0x0  }
0xa4: {  	s25 =	simm.s32 $0x1B8E;
	s24 =	sld [smem:$0x3FFE];
	[sflag:s23] =	ssyncadd.s32 $0xFFFFFFFF  }
0xa5: {  	s26 =	simm.s32 $execute0_lowered;
	[smem:$0x3FD2] =	sst s25  }
0xa6: {  	s4 =	sshll.u32 s26, $0x1;
	_ =	strace $0x80000049;
	[dreg:$0x1] =	wrdreg $0xFFFFFFFF  }
0xa7: {  	s28 =	simm.s32 $_size_execute0_lowered;
	s2 =	sadd.s32 s2, s4;
	[dreg:$0x0] =	wrdreg $0x0  }
0xa8: {  	s4 =	sshll.u32 s28, $0x1;
	[dreg:$0x2] =	wrdreg s2  }
0xa9: {  	[dreg:$0x3] =	wrdreg s4  }
0xaa: {  	[dreg:$0x4] =	wrdreg $0xC0  }
0xab: {  	_ =	task [dreg:s6], $0x5FFFF  }
0xac: {  	[dreg:$0x1] =	wrdreg $0xFFFFFFFF  }
0xad: {  	[dreg:$0x0] =	wrdreg $0x60  }
0xae: {  	[dreg:$0x2] =	wrdreg s24  }
0xaf: {  	[dreg:$0x3] =	wrdreg $0x9  }
0xb0: {  	_ =	task.clear_ibuf [dreg:s6], $0x4FFFF;
	_ =	strace $0x90000049  }
0xb1: {  	s29 =	simm.s32 $0x9;
	_ =	strace $0x8000004B  }
0xb2: {  	_ =	swait.ge [sflag:s29], $0x1  }
0xb3: {  	[sflag:s29] =	ssyncadd.s32 $0xFFFFFFFF  }
0xb4: {  	_ =	strace $0x9000004B  }
0xb5: {  	_ =	sfence  }
0xb6: {  	s30 =	sld [smem:$0x0];
	_ =	sdelay $0x2  }
0xb7: {  	s31 =	sshll.u32 s1, $0xD;
	s1 =	sshrl.u32 s1, $0x2  }
0xb8: {  	s3 =	sand.u32 $0x4000, s31;
	s1 =	sadd.s32 s1, s30  }
0xb9: {  	s0 =	sor.u32 s3, s0;
	s1 =	sshll.u32 s1, $0x11  }
0xba: {  	s0 =	sor.u32 s1, s0  }
0xbb: {  	s0 =	sadd.s32 $0x8F2B, s0  }
0xbc: {  	[sflag:s0] =	ssyncadd.remote.s32 $0x1  }
0xbd: {  	_ =	sfence.sel $0xFFFF  }
0xbe: {  	[dreg:$0x0] =	wrdreg $0xFFFFFFFF;
	(pc) =	sbr.abs _section_cstart, $3  }
0xbf: {  	[dreg:$0x1] =	wrdreg $0xFFFFFFFF  }
0xc0: {  	_ =	task.clear_ibuf [dreg:s6], $0x2FFFF;
	_ =	strace $0x9FFFFFFF  }
0xc1: {  	(tm) =	ssettm $0x7FFFFFFF  }
tec
execute0_lowered:
.L_overlay_start_1:
0x0: {  	(tag) =	ssettag $0x1  }
0x1: {  	s5 =	rddreg [dreg:$0x0]  }
0x2: {  	s0 =	rddreg [dreg:$0x1];
	s1 =	stileid.u32  }
0x3: {  	s3 =	srdreg.scid;
	s2 =	simm.s32 $0x0;
	s11 =	simm.s32 $0x3  }
0x4: {  	s12 =	simm.s32 $0x4F00;
	s4 =	smul.u32 $0x4F00, s1;
	s6 =	sand.u32 $0x1, s3  }
0x5: {  	s13 =	simm.s32 $0x0;
	[smem:$0x7FF] =	sst s2;
	s7 =	smul.u32 $0x4F000, s6  }
0x6: {  	s3 =	sadd.s32 $0x15600, s5;
	_ =	strace $0x8000004A;
	s9 =	ssub.s32 $0x2, s6  }
0x7: {  	s8 =	sshrl.u32 s4, $0x3;
	s30 =	sshrl.u32 s9, $0x1;
	s7 =	sadd.s32 s4, s7  }
0x8: {  	s4 =	smul.u32 $0x50000, s6;
	s8 =	sadd.s32 s8, s5;
	s9 =	ssub.s32 s9, s30  }
0x9: {  	s29 =	sshrl.u32 s7, $0x3;
	s6 =	sadd.s32 $0x1800, s8;
	s7 =	sadd.s32 $0xB600, s8  }
0xa: {  	s9 =	smax.u32 s9, $0x1;
	s10 =	sadd.s32 s29, s5;
	s31 =	sshrl.u32 s4, $0x3  }
0xb: {  	s5 =	sadd.s32 s3, s31;
	s8 =	sadd.s32 $0x29600, s10;
	s10 =	simm.s32 $0x9E00  }
.LBB2_1:
0xc: {  	[tilespmem:s10], [sflag:$0x1] =	stream.linear.gather [hbm4b:s5+s2], $0x4000, $0x38;
	[tilespmem:$0x11E00] =	vst v63  }
0xd: {  	_ = 	snop  }
0xe: {  	[tilespmem:s2], [sflag:$0x3] =	stream.linear.gather [hbm4b:s6+s2], $0x4F00, $0x38;
	[tilespmem:$0x11E00] =	vst v63  }
0xf: {  	_ =	swait.ge [sflag:s11], $0x4F00  }
0x10: {  	[sflag:s11] =	ssyncset.done $0x0  }
0x11: {  	[sflag:s11] =	ssyncadd.s32 $0xFFFFB100  }
0x12: {  	[tilespmem:s12], [sflag:$0x3] =	stream.linear.gather [hbm4b:s7+s2], $0x4F00, $0x38;
	[tilespmem:$0x11E00] =	vst v63  }
0x13: {  	_ =	swait.ge [sflag:s11], $0x4F00  }
0x14: {  	[sflag:s11] =	ssyncset.done $0x0  }
0x15: {  	p0 =	por $0x0, $0x0;
	s14 =	simm.s32 $0x0;
	[sflag:s11] =	ssyncadd.s32 $0xFFFFB100  }
.LBB2_3:
0x16: {  	s15 =	simm.s32 $0x1  }
0x17: {  	s16 =	smov.u32 s14;
	s15 =	simm.s32 @!p0 $0x0  }
0x18: {  	s17 =	sand.u32 $0x1, s16;
	s14 =	sadd.s32 $0x1, s16;
	p1 =	seq.s32 s16, $0x13  }
0x19: {  	s31 =	sshll.u32 s15, $0xE;
	s17 =	sadd.s32 $0x1, s17;
	s16 =	sshll.u32 @!p1 s14, $0xE  }
0x1a: {  	s18 =	sand.u32 @!p1 $0x1, s14;
	s15 =	sor.u32 $0xBE00, s31;
	_ =	swait.ge [sflag:s17], $0x4000  }
0x1b: {  	s16 =	sadd.s32 @!p1 s4, s16;
	s19 =	sshll.u32 @!p1 s18, $0xE;
	[sflag:s17] =	ssyncset.done $0x0  }
0x1c: {  	s18 =	sadd.s32 @!p1 $0x1, s18;
	s16 =	sshrl.u32 @!p1 s16, $0x3;
	[sflag:s17] =	ssyncadd.s32 $0xFFFFC000  }
0x1d: {  	s17 =	sor.u32 @!p1 $0x9E00, s19;
	s16 =	sadd.s32 @!p1 s3, s16;
	s19 =	simm.s32 @!p1 $0x0  }
0x1e: {  	[tilespmem:s17], [sflag:s18] =	stream.linear.gather @!p1 [hbm4b:s16+s19], $0x4000, $0x38;
	[tilespmem:$0x11E00] =	vst v63  }
0x1f: {  	v0 =	vld [tilespmem:s15+$0x10]  }
0x20: {  	v2 =	vld [tilespmem:s15+$0x30]  }
0x21: {  	v1 =	vld [tilespmem:s15+$0x20]  }
0x22: {  	v3 =	vld [tilespmem:s15+$0x40]  }
0x23: {  	v4 =	vld [tilespmem:s15+$0x50]  }
0x24: {  	v5 =	vld [tilespmem:s15+$0x60]  }
0x25: {  	v7 =	vld [tilespmem:s15+$0x70]  }
0x26: {  	v8 =	vld [tilespmem:s15+$0x0]  }
0x27: {  	v6 =	vld [tilespmem:s15+$0xFFFFE000]  }
0x28: {  	v9 =	vld [tilespmem:s15+$0xFFFFE070]  }
0x29: {  	v10 =	vld [tilespmem:s15+$0xFFFFE060]  }
0x2a: {  	v11 =	vld [tilespmem:s15+$0xFFFFE050]  }
0x2b: {  	v12 =	vld [tilespmem:s15+$0xFFFFE040]  }
0x2c: {  	v14 =	vld [tilespmem:s15+$0xFFFFE030]  }
0x2d: {  	v15 =	vld [tilespmem:s15+$0xFFFFE020]  }
0x2e: {  	v16 =	vld [tilespmem:s15+$0xFFFFE010]  }
0x2f: {  	v13 =	vld.idx.msk [tilespmem:v6+s2+$0x0], $0xffff  }
0x30: {  	v17 =	vld.idx.msk [tilespmem:v9+s2+$0x0], $0xffff  }
0x31: {  	v18 =	vld.idx.msk [tilespmem:v10+s2+$0x0], $0xffff  }
0x32: {  	v20 =	vld.idx.msk [tilespmem:v11+s2+$0x0], $0xffff  }
0x33: {  	v21 =	vld.idx.msk [tilespmem:v12+s2+$0x0], $0xffff  }
0x34: {  	v19 =	vadd.s32 $0x2780, v6;
	v6 =	vld.idx.msk [tilespmem:v14+s2+$0x0], $0xffff  }
0x35: {  	v22 =	vadd.s32 $0x2780, v9;
	v9 =	vld.idx.msk [tilespmem:v15+s2+$0x0], $0xffff  }
0x36: {  	[tilespmem:v8+s12+$0x0] =	vst.idx.add.f32.msk $0xffff, v13  }
0x37: {  	[tilespmem:v7+s12+$0x0] =	vst.idx.add.f32.msk $0xffff, v17  }
0x38: {  	v11 =	vadd.s32 $0x2780, v11;
	[tilespmem:v5+s12+$0x0] =	vst.idx.add.f32.msk $0xffff, v18  }
0x39: {  	v10 =	vadd.s32 $0x2780, v10;
	[tilespmem:v4+s12+$0x0] =	vst.idx.add.f32.msk $0xffff, v20  }
0x3a: {  	v12 =	vadd.s32 $0x2780, v12;
	[tilespmem:v3+s12+$0x0] =	vst.idx.add.f32.msk $0xffff, v21  }
0x3b: {  	v8 =	vadd.s32 $0x2780, v8;
	v13 =	vld.idx.msk [tilespmem:v19+s2+$0x0], $0xffff  }
0x3c: {  	v17 =	vld.idx.msk [tilespmem:v22+s2+$0x0], $0xffff  }
0x3d: {  	v63 =	vadd.s32 $0x2780, v7;
	v7 =	vld.idx.msk [tilespmem:v11+s2+$0x0], $0xffff  }
0x3e: {  	v10 =	vld.idx.msk [tilespmem:v10+s2+$0x0], $0xffff  }
0x3f: {  	v12 =	vld.idx.msk [tilespmem:v12+s2+$0x0], $0xffff  }
0x40: {  	[tilespmem:v8+s12+$0x0] =	vst.idx.add.f32.msk $0xffff, v13;
	v8 =	vadd.s32 $0x2780, v14  }
0x41: {  	v11 =	vadd.s32 $0x2780, v15;
	v13 =	vld.idx.msk [tilespmem:v16+s2+$0x0], $0xffff  }
0x42: {  	s16 =	simm.s32 $0x0;
	[tilespmem:v63+s12+$0x0] =	vst.idx.add.f32.msk $0xffff, v17;
	v14 =	vadd.s32 $0x2780, v16  }
.LBB2_4:
0x43: {  	s16 =	sadd.s32 $0x8, s16;
	[tilespmem:v1+s12+$0x0] =	vst.idx.add.f32.msk $0xffff, v9;
	s15 =	sadd.s32 $0x80, s15  }
0x44: {  	v5 =	vadd.s32 $0x2780, v5;
	p1 =	slt.u32 s16, $0x1F8;
	[tilespmem:v2+s12+$0x0] =	vst.idx.add.f32.msk $0xffff, v6  }
0x45: {  	v4 =	vadd.s32 $0x2780, v4;
	v6 =	vld.idx.msk [tilespmem:v8+s2+$0x0], $0xffff  }
0x46: {  	v2 =	vadd.s32 $0x2780, v2;
	v8 =	vld.idx.msk [tilespmem:v11+s2+$0x0], $0xffff  }
0x47: {  	v3 =	vadd.s32 $0x2780, v3;
	[tilespmem:v0+s12+$0x0] =	vst.idx.add.f32.msk $0xffff, v13  }
0x48: {  	v1 =	vadd.s32 $0x2780, v1;
	v0 =	vadd.s32 $0x2780, v0;
	v9 =	vld.idx.msk [tilespmem:v14+s2+$0x0], $0xffff  }
0x49: {  	[tilespmem:v5+s12+$0x0] =	vst.idx.add.f32.msk $0xffff, v10  }
0x4a: {  	[tilespmem:v4+s12+$0x0] =	vst.idx.add.f32.msk $0xffff, v7  }
0x4b: {  	[tilespmem:v2+s12+$0x0] =	vst.idx.add.f32.msk $0xffff, v6  }
0x4c: {  	[tilespmem:v3+s12+$0x0] =	vst.idx.add.f32.msk $0xffff, v12  }
0x4d: {  	[tilespmem:v1+s12+$0x0] =	vst.idx.add.f32.msk $0xffff, v8  }
0x4e: {  	[tilespmem:v0+s12+$0x0] =	vst.idx.add.f32.msk $0xffff, v9  }
0x4f: {  	v0 =	vld [tilespmem:s15+$0x10]  }
0x50: {  	v2 =	vld [tilespmem:s15+$0x30]  }
0x51: {  	v1 =	vld [tilespmem:s15+$0x20]  }
0x52: {  	v3 =	vld [tilespmem:s15+$0x40]  }
0x53: {  	v4 =	vld [tilespmem:s15+$0x50]  }
0x54: {  	v5 =	vld [tilespmem:s15+$0x60]  }
0x55: {  	v7 =	vld [tilespmem:s15+$0x70]  }
0x56: {  	v10 =	vld [tilespmem:s15+$0x0]  }
0x57: {  	v6 =	vld [tilespmem:s15+$0xFFFFE000]  }
0x58: {  	v9 =	vld [tilespmem:s15+$0xFFFFE070]  }
0x59: {  	v12 =	vld [tilespmem:s15+$0xFFFFE060]  }
0x5a: {  	v11 =	vld [tilespmem:s15+$0xFFFFE050]  }
0x5b: {  	v13 =	vld [tilespmem:s15+$0xFFFFE040]  }
0x5c: {  	v14 =	vld [tilespmem:s15+$0xFFFFE030]  }
0x5d: {  	v15 =	vld [tilespmem:s15+$0xFFFFE020]  }
0x5e: {  	v16 =	vld [tilespmem:s15+$0xFFFFE010]  }
0x5f: {  	v17 =	vld.idx.msk [tilespmem:v6+s2+$0x0], $0xffff  }
0x60: {  	v18 =	vld.idx.msk [tilespmem:v9+s2+$0x0], $0xffff  }
0x61: {  	v8 =	vadd.s32 $0x2780, v14;
	v19 =	vld.idx.msk [tilespmem:v12+s2+$0x0], $0xffff  }
0x62: {  	v20 =	vadd.s32 $0x2780, v6;
	v21 =	vld.idx.msk [tilespmem:v11+s2+$0x0], $0xffff  }
0x63: {  	v22 =	vld.idx.msk [tilespmem:v13+s2+$0x0], $0xffff  }
0x64: {  	v23 =	vadd.s32 $0x2780, v9;
	v6 =	vld.idx.msk [tilespmem:v14+s2+$0x0], $0xffff;
	v14 =	vadd.s32 $0x2780, v11  }
0x65: {  	v9 =	vld.idx.msk [tilespmem:v15+s2+$0x0], $0xffff  }
0x66: {  	[tilespmem:v10+s12+$0x0] =	vst.idx.add.f32.msk $0xffff, v17  }
0x67: {  	v11 =	vadd.s32 $0x2780, v15;
	v17 =	vld.idx.msk [tilespmem:v20+s2+$0x0], $0xffff  }
0x68: {  	v12 =	vadd.s32 $0x2780, v12;
	[tilespmem:v7+s12+$0x0] =	vst.idx.add.f32.msk $0xffff, v18  }
0x69: {  	v15 =	vadd.s32 $0x2780, v10;
	v18 =	vld.idx.msk [tilespmem:v23+s2+$0x0], $0xffff  }
0x6a: {  	[tilespmem:v5+s12+$0x0] =	vst.idx.add.f32.msk $0xffff, v19  }
0x6b: {  	v19 =	vadd.s32 $0x2780, v7;
	[tilespmem:v4+s12+$0x0] =	vst.idx.add.f32.msk $0xffff, v21  }
0x6c: {  	v7 =	vld.idx.msk [tilespmem:v14+s2+$0x0], $0xffff  }
0x6d: {  	v20 =	vadd.s32 $0x2780, v13;
	v10 =	vld.idx.msk [tilespmem:v12+s2+$0x0], $0xffff  }
.Ltmp0:
0x6e: {  	[tilespmem:v15+s12+$0x0] =	vst.idx.add.f32.msk $0xffff, v17;
	(pc) =	sbr.rel @p1 .LBB2_4-.Ltmp0, $4  }
0x6f: {  	v13 =	vld.idx.msk [tilespmem:v16+s2+$0x0], $0xffff  }
0x70: {  	[tilespmem:v19+s12+$0x0] =	vst.idx.add.f32.msk $0xffff, v18  }
0x71: {  	[tilespmem:v3+s12+$0x0] =	vst.idx.add.f32.msk $0xffff, v22  }
0x72: {  	v14 =	vadd.s32 $0x2780, v16;
	v12 =	vld.idx.msk [tilespmem:v20+s2+$0x0], $0xffff  }
0x73: {  	_ =	sdelay $0x3  }
0x74: {  	[tilespmem:v1+s12+$0x0] =	vst.idx.add.f32.msk $0xffff, v9  }
0x75: {  	[tilespmem:v2+s12+$0x0] =	vst.idx.add.f32.msk $0xffff, v6;
	v5 =	vadd.s32 $0x2780, v5  }
0x76: {  	v4 =	vadd.s32 $0x2780, v4;
	v6 =	vld.idx.msk [tilespmem:v8+s2+$0x0], $0xffff  }
0x77: {  	v3 =	vadd.s32 $0x2780, v3;
	v59 =	vld.idx.msk [tilespmem:v11+s2+$0x0], $0xffff  }
0x78: {  	v60 =	vadd.s32 $0x2780, v2;
	[tilespmem:v0+s12+$0x0] =	vst.idx.add.f32.msk $0xffff, v13  }
0x79: {  	v62 =	vadd.s32 $0x2780, v1;
	v61 =	vld.idx.msk [tilespmem:v14+s2+$0x0], $0xffff  }
0x7a: {  	v63 =	vadd.s32 $0x2780, v0;
	[tilespmem:v5+s12+$0x0] =	vst.idx.add.f32.msk $0xffff, v10  }
0x7b: {  	[tilespmem:v4+s12+$0x0] =	vst.idx.add.f32.msk $0xffff, v7  }
0x7c: {  	[tilespmem:v3+s12+$0x0] =	vst.idx.add.f32.msk $0xffff, v12  }
0x7d: {  	[tilespmem:v60+s12+$0x0] =	vst.idx.add.f32.msk $0xffff, v6  }
0x7e: {  	[tilespmem:v62+s12+$0x0] =	vst.idx.add.f32.msk $0xffff, v59  }
0x7f: {  	[tilespmem:v63+s12+$0x0] =	vst.idx.add.f32.msk $0xffff, v61  }
0x80: {  	p1 =	seq.s32 s14, $0x14  }
.Ltmp1:
0x81: {  	_ = 	snop;
	(pc) =	sbr.rel @!p1 .LBB2_3-.Ltmp1, $2  }
0x82: {  	_ =	sdelay $0x2  }
0x83: {  	p0 =	por !p0, !p0  }
0x84: {  	s13 =	sadd.s32 $0x1, s13  }
0x85: {  	p0 =	sne.s32 s13, s9  }
.Ltmp2:
0x86: {  	_ = 	snop;
	(pc) =	sbr.rel @p0 .LBB2_1-.Ltmp2, $4  }
0x87: {  	[hbm4b:s8+s2] =	stream.linear.scatter [tilespmem:s12], [sflag:$0x3], $0x4F00, $0x38;
	[tilespmem:$0x11E00] =	vst v63  }
0x88: {  	_ =	swait.ge [sflag:s11], $0x4F00  }
0x89: {  	[sflag:s11] =	ssyncset.done $0x0  }
0x8a: {  	[sflag:s11] =	ssyncadd.s32 $0xFFFFB100  }
0x8b: {  	_ =	sfence.sel $0x180000  }
0x8c: {  	[bflag:$0x0] =	sbarrier.arrive $0xFFFF  }
0x8d: {  	p0 =	sne.s32 s1, $0x0;
	_ =	strace $0x9000004A  }
0x8e: {  	s0 =	sadd.s32 @!p0 $0x100000, s0;
	[bflag:$0x2] =	sbarrier.arrive $0xFFFF  }
0x8f: {  	[sflag:s0] =	ssyncadd.tile.s32 @!p0 $0x1;
	_ =	shalt  }
.Lfunc_end2:
_tile_overlayer_lowered:
.L_overlay_start_2:
0x90: {  	(tag) =	ssettag $0x2  }
0x91: {  	s0 =	rddreg [dreg:$0x0];
	s2 =	stileid.u32  }
0x92: {  	s1 =	rddreg [dreg:$0x1];
	p0 =	sne.s32 s2, $0x0  }
0x93: {  	s3 =	rddreg [dreg:$0x2];
	[bflag:$0x3] =	sbarrier.arrive $0xFFFF;
	s2 =	simm.s32 @!p0 $0x1C03  }
0x94: {  	[timem:s3], [sflag:s2] =	dma.local @!p0 [hbm:s0], s1  }
0x95: {  	s0 =	simm.s32 @!p0 $0x3  }
0x96: {  	_ =	swait.ge @!p0 [sflag:s0], s1  }
0x97: {  	s1 =	ssub.s32 @!p0 $0x0, s1;
	[sflag:s0] =	ssyncset.done @!p0 $0x0  }
0x98: {  	[sflag:s0] =	ssyncadd.s32 @!p0 s1  }
0x99: {  	[bflag:$0x3] =	sbarrier.arrive $0xFFFF  }
0x9a: {  	_ =	shalt  }

// kernel: kernel.14.cloned.1.call-start
scs
__scs_entry_jumppad:
0x0: {  	(pc) =	sbr.rel $0x88, $3  }
0x1: {  	(tag) =	ssettag $0x0;
	lr =	simm.s32 $0x1  }
0x2: {  	[smem:$0x3F9B] =	sst lr;
	_ =	strace $0xD0000000  }
0x3: {  	_ = 	snop  }
0x4: {  	_ = 	snop  }
0x5: {  	_ = 	snop  }
0x6: {  	_ = 	snop  }
0x7: {  	_ = 	snop  }
__scs_overlays_trampoline_lowered:
0x8: {  	[smem:$0x3FAA] =	sst s0  }
0x9: {  	[smem:$0x3FAB] =	sst s1  }
0xa: {  	[smem:$0x3FAC] =	sst s2  }
0xb: {  	[smem:$0x3FAD] =	sst s3  }
0xc: {  	[smem:$0x3FAE] =	sst s4  }
0xd: {  	[smem:$0x3FAF] =	sst s5  }
0xe: {  	[smem:$0x3FB0] =	sst s6  }
0xf: {  	[smem:$0x3FB1] =	sst s7  }
0x10: {  	[smem:$0x3FB2] =	sst s8  }
0x11: {  	[smem:$0x3FB3] =	sst s9;
	s0 =	simm.s32 @!p0 $0x0  }
0x12: {  	s1 =	sld [smem:$0x3F99];
	s0 =	simm.s32 @p0 $0x1  }
0x13: {  	[smem:$0x3FB4] =	sst s0;
	s0 =	simm.s32 @!p1 $0x0  }
0x14: {  	s2 =	sld [smem:$0x3F98];
	s0 =	simm.s32 @p1 $0x1  }
0x15: {  	[smem:$0x3FB5] =	sst s0;
	s0 =	simm.s32 @!p2 $0x0  }
0x16: {  	s3 =	sld [smem:$0x3FDB];
	s0 =	simm.s32 @p2 $0x1  }
0x17: {  	s4 =	simm.s32 $0x1BF5;
	[smem:$0x3FB7] =	sst s0  }
0x18: {  	s0 =	sld [smem:$0x3F9A];
	_ =	swait.ge [sflag:s4], $0x0  }
0x19: {  	s7 =	sld [smem:$0x3F9B]  }
0x1a: {  	s8 =	sadd.s32 $0xFFFFE003, lr  }
0x1b: {  	s9 =	sadd.s32 $0xFFFFFEF7, lr;
	s5 =	simm.s32 $0xFFFFFFFF;
	p2 =	slt.u32 s8, $0xFFFFF086  }
0x1c: {  	p1 =	slt.u32 s9, $0xF7A;
	s5 =	simm.s32 @!p2 $0x0  }
0x1d: {  	s5 =	simm.s32 @p1 $0x1;
	p0 =	seq.s32 s7, s2  }
0x1e: {  	s7 =	smul.u32 @!p0 $0xF7A, s2;
	p2 =	seq.s32 @!p0 s5, $0x0  }
0x1f: {  	s9 =	smul.u32 $0xF7A, s1;
	s8 =	simm.s32 @!p0 $0x1BF5;
	p2 =	por !p2, p0  }
0x20: {  	[sflag:s8] =	ssyncset.s32 @!p0 $0xFFFFF086;
	s6 =	sadd.s32 @!p0 s3, s7;
	s7 =	simm.s32 @!p0 $0x108  }
0x21: {  	s3 =	sadd.s32 s3, s9;
	s6 =	sadd.s32 @!p0 $0x88, s6;
	s7 =	simm.s32 @p2 $0x1082  }
0x22: {  	[simem:s7], [sflag:s8] =	dma.local @!p0 [hbm:s6], $0xF7A  }
0x23: {  	s9 =	sor.u32 $0xD0000000, s2;
	s6 =	simm.s32 $0x108;
	_ =	swait.ge @!p0 [sflag:s8], $0x0  }
0x24: {  	s3 =	sadd.s32 $0x88, s3;
	s6 =	simm.s32 @!p1 $0x1082;
	[sflag:s4] =	ssyncset.s32 $0xFFFFF086  }
0x25: {  	[simem:s6], [sflag:s4] =	dma.local [hbm:s3], $0xF7A  }
0x26: {  	[smem:$0x3F9B] =	sst s1;
	(tag) =	ssettag s2;
	_ =	strace s9  }
0x27: {  	s1 =	sld [smem:$0x3FAB]  }
0x28: {  	s2 =	sld [smem:$0x3FAC]  }
0x29: {  	s4 =	sld [smem:$0x3FAE]  }
0x2a: {  	p0 =	seq.s32 s5, $0x0;
	s5 =	sld [smem:$0x3FAF]  }
0x2b: {  	s6 =	sld [smem:$0x3FB0]  }
0x2c: {  	s7 =	sld [smem:$0x3FB1]  }
0x2d: {  	s3 =	simm.s32 $0x108;
	s8 =	sld [smem:$0x3FB2]  }
0x2e: {  	s3 =	simm.s32 @!p0 $0x1082;
	s9 =	sld [smem:$0x3FB3]  }
0x2f: {  	lr =	sadd.s32 s0, s3;
	s0 =	sld [smem:$0x3FAA]  }
0x30: {  	s3 =	sld [smem:$0x3FAD]  }
0x31: {  	[smem:$0x3FB6] =	sst s10  }
0x32: {  	s10 =	sld [smem:$0x3FB4];
	_ =	sdelay $0x3  }
0x33: {  	p0 =	seq.s32 s10, $0x1;
	s10 =	sld [smem:$0x3FB6];
	_ =	sdelay $0x3  }
0x34: {  	[smem:$0x3FB6] =	sst s10  }
0x35: {  	s10 =	sld [smem:$0x3FB5];
	_ =	sdelay $0x3  }
0x36: {  	p1 =	seq.s32 s10, $0x1;
	s10 =	sld [smem:$0x3FB6];
	_ =	sdelay $0x3  }
0x37: {  	[smem:$0x3FB6] =	sst s10  }
0x38: {  	s10 =	sld [smem:$0x3FB7]  }
0x39: {  	_ = 	snop;
	(pc) =	sbr.ind lr, $3  }
0x3a: {  	_ = 	snop  }
0x3b: {  	_ = 	snop  }
0x3c: {  	p2 =	seq.s32 s10, $0x1;
	s10 =	sld [smem:$0x3FB6]  }
0x3d: {  	_ =	shalt  }
0x3e: {  	_ =	shalt  }
0x3f: {  	_ =	shalt  }
0x40: {  	_ =	shalt  }
0x41: {  	_ =	shalt  }
0x42: {  	_ =	shalt  }
0x43: {  	_ =	shalt  }
0x44: {  	_ =	shalt  }
0x45: {  	_ =	shalt  }
0x46: {  	_ =	shalt  }
0x47: {  	_ =	shalt  }
0x48: {  	_ =	shalt  }
0x49: {  	_ =	shalt  }
0x4a: {  	_ =	shalt  }
0x4b: {  	_ =	shalt  }
0x4c: {  	_ =	shalt  }
0x4d: {  	_ =	shalt  }
0x4e: {  	_ =	shalt  }
0x4f: {  	_ =	shalt  }
0x50: {  	_ =	shalt  }
0x51: {  	_ =	shalt  }
0x52: {  	_ =	shalt  }
0x53: {  	_ =	shalt  }
0x54: {  	_ =	shalt  }
0x55: {  	_ =	shalt  }
0x56: {  	_ =	shalt  }
0x57: {  	_ =	shalt  }
0x58: {  	_ =	shalt  }
0x59: {  	_ =	shalt  }
0x5a: {  	_ =	shalt  }
0x5b: {  	_ =	shalt  }
0x5c: {  	_ =	shalt  }
0x5d: {  	_ =	shalt  }
0x5e: {  	_ =	shalt  }
0x5f: {  	_ =	shalt  }
0x60: {  	_ =	shalt  }
0x61: {  	_ =	shalt  }
0x62: {  	_ =	shalt  }
0x63: {  	_ =	shalt  }
0x64: {  	_ =	shalt  }
0x65: {  	_ =	shalt  }
0x66: {  	_ =	shalt  }
0x67: {  	_ =	shalt  }
0x68: {  	_ =	shalt  }
0x69: {  	_ =	shalt  }
0x6a: {  	_ =	shalt  }
0x6b: {  	_ =	shalt  }
0x6c: {  	_ =	shalt  }
0x6d: {  	_ =	shalt  }
0x6e: {  	_ =	shalt  }
0x6f: {  	_ =	shalt  }
0x70: {  	_ =	shalt  }
0x71: {  	_ =	shalt  }
0x72: {  	_ =	shalt  }
0x73: {  	_ =	shalt  }
0x74: {  	_ =	shalt  }
0x75: {  	_ =	shalt  }
0x76: {  	_ =	shalt  }
0x77: {  	_ =	shalt  }
0x78: {  	_ =	shalt  }
0x79: {  	_ =	shalt  }
0x7a: {  	_ =	shalt  }
0x7b: {  	_ =	shalt  }
0x7c: {  	_ =	shalt  }
0x7d: {  	_ =	shalt  }
0x7e: {  	_ =	shalt  }
0x7f: {  	_ =	shalt  }
0x80: {  	_ =	shalt  }
0x81: {  	_ =	shalt  }
0x82: {  	_ =	shalt  }
0x83: {  	_ =	shalt  }
0x84: {  	_ =	shalt  }
0x85: {  	_ =	shalt  }
0x86: {  	_ =	shalt  }
0x87: {  	_ =	shalt  }
.Lfunc_end0:
.L_simem_size_0:
called_computation.2_lowered:
.L_overlay_start_0:
0x88: {  	s2 =	sld [smem:$0x3FD9]  }
0x89: {  	s3 =	sld [smem:$0x3FFE];
	_ =	sdelay $0x1  }
0x8a: {  	s1 =	srdreg.scid  }
0x8b: {  	s0 =	sand.u32 $0x1, s1  }
0x8c: {  	s17 =	sshll.u32 s0, $0xA;
	s2 =	sadd.s32 s3, s2  }
0x8d: {  	s2 =	sadd.s32 s2, s17  }
0x8e: {  	[smem:$0x3FC2] =	sst s2  }
0x8f: {  	_ = 	snop  }
0x90: {  	s2 =	sld [smem:$0x3FD0];
	(tm) =	ssettm $0x1  }
0x91: {  	s18 =	sld [smem:$0x3FFB];
	_ =	sdelay $0x3  }
0x92: {  	_ =	strace s18  }
0x93: {  	s3 =	sld [smem:$0x3FFC];
	_ =	sdelay $0x3  }
0x94: {  	_ =	strace s3  }
0x95: {  	s3 =	sld [smem:$0x3FFD];
	_ =	sdelay $0x3  }
0x96: {  	_ =	strace s3  }
0x97: {  	_ =	strace $0x8FFFFFFF  }
0x98: {  	s19 =	sld [smem:$0x3FDB];
	_ =	sdelay $0x1  }
0x99: {  	s4 =	simm.s32 $_scs_section_size  }
0x9a: {  	s5 =	simm.s32 $_size__tile_overlayer_lowered;
	s6 =	simm.s32 $_tile_overlayer_lowered  }
0x9b: {  	s22 =	simm.s32 $0x1BFF;
	s21 =	sshll.u32 s6, $0x1;
	s3 =	sadd.s32 s4, s19  }
0x9c: {  	s7 =	simm.s32 $0x0;
	s20 =	sshll.u32 s5, $0x1;
	s5 =	sadd.s32 s21, s3  }
0x9d: {  	[timem:s7], [sflag:s22] =	dma.local [hbm:s5], s20  }
0x9e: {  	_ =	swait.ge [sflag:s22], s20  }
0x9f: {  	s4 =	ssub.s32 $0x0, s20;
	[sflag:s22] =	ssyncset.done $0x0  }
0xa0: {  	[sflag:s22] =	ssyncadd.s32 s4;
	_ =	sdelay $0x1  }
0xa1: {  	s23 =	simm.s32 $0x1B8B  }
0xa2: {  	_ =	swait.ge [sflag:s23], $0x1  }
0xa3: {  	[sflag:s23] =	ssyncset.done $0x0  }
0xa4: {  	s25 =	simm.s32 $0x1B8E;
	s24 =	sld [smem:$0x3FFE];
	[sflag:s23] =	ssyncadd.s32 $0xFFFFFFFF  }
0xa5: {  	s26 =	simm.s32 $execute0_lowered;
	[smem:$0x3FD2] =	sst s25  }
0xa6: {  	s5 =	sshll.u32 s26, $0x1;
	_ =	strace $0x8000004C;
	[dreg:$0x1] =	wrdreg $0xFFFFFFFF  }
0xa7: {  	s28 =	simm.s32 $_size_execute0_lowered;
	s3 =	sadd.s32 s3, s5;
	[dreg:$0x0] =	wrdreg $0x0  }
0xa8: {  	s5 =	sshll.u32 s28, $0x1;
	[dreg:$0x2] =	wrdreg s3  }
0xa9: {  	[dreg:$0x3] =	wrdreg s5  }
0xaa: {  	[dreg:$0x4] =	wrdreg $0xC0  }
0xab: {  	_ =	task [dreg:s7], $0x5FFFF  }
0xac: {  	[dreg:$0x1] =	wrdreg $0xFFFFFFFF  }
0xad: {  	[dreg:$0x0] =	wrdreg $0x60  }
0xae: {  	[dreg:$0x2] =	wrdreg s24  }
0xaf: {  	[dreg:$0x3] =	wrdreg s2  }
0xb0: {  	[dreg:$0x4] =	wrdreg $0x9  }
0xb1: {  	_ =	task.clear_ibuf [dreg:s7], $0x5FFFF;
	_ =	strace $0x9000004C  }
0xb2: {  	s29 =	simm.s32 $0x9;
	_ =	strace $0x8000004E  }
0xb3: {  	_ =	swait.ge [sflag:s29], $0x1  }
0xb4: {  	[sflag:s29] =	ssyncadd.s32 $0xFFFFFFFF  }
0xb5: {  	_ =	strace $0x9000004E  }
0xb6: {  	_ =	sfence  }
0xb7: {  	s30 =	sld [smem:$0x0];
	_ =	sdelay $0x2  }
0xb8: {  	s31 =	sshll.u32 s1, $0xD;
	s1 =	sshrl.u32 s1, $0x2  }
0xb9: {  	s3 =	sand.u32 $0x4000, s31;
	s1 =	sadd.s32 s1, s30  }
0xba: {  	s0 =	sor.u32 s3, s0;
	s1 =	sshll.u32 s1, $0x11  }
0xbb: {  	s0 =	sor.u32 s1, s0  }
0xbc: {  	s0 =	sadd.s32 $0x8F2B, s0  }
0xbd: {  	[sflag:s0] =	ssyncadd.remote.s32 $0x1  }
0xbe: {  	_ =	sfence.sel $0xFFFF  }
0xbf: {  	[dreg:$0x0] =	wrdreg $0xFFFFFFFF;
	(pc) =	sbr.abs _section_cstart, $3  }
0xc0: {  	[dreg:$0x1] =	wrdreg $0xFFFFFFFF  }
0xc1: {  	_ =	task.clear_ibuf [dreg:s7], $0x2FFFF;
	_ =	strace $0x9FFFFFFF  }
0xc2: {  	(tm) =	ssettm $0x7FFFFFFF  }
0xc3: {  	_ =	shalt  }
tec
execute0_lowered:
.L_overlay_start_1:
0x0: {  	(tag) =	ssettag $0x1  }
0x1: {  	s5 =	rddreg [dreg:$0x0]  }
0x2: {  	s7 =	rddreg [dreg:$0x1]  }
0x3: {  	s0 =	stileid.u32;
	s4 =	srdreg.scid  }
0x4: {  	s1 =	rddreg [dreg:$0x2];
	s2 =	simm.s32 $0x0;
	s3 =	smul.u32 $0x2780, s0  }
0x5: {  	s13 =	simm.s32 $0x0;
	s4 =	sand.u32 $0x1, s4;
	[smem:$0x7FF] =	sst s2  }
0x6: {  	s6 =	smul.u32 $0x27800, s4;
	s10 =	ssub.s32 $0x2, s4;
	s8 =	sshrl.u32 s3, $0x3  }
0x7: {  	_ =	strace $0x8000004D;
	s11 =	sshrl.u32 s10, $0x1;
	s9 =	sadd.s32 s8, s5  }
0x8: {  	s6 =	sadd.s32 s3, s6;
	s3 =	smul.u32 $0x50000, s4;
	s4 =	sadd.s32 $0x15600, s5  }
0x9: {  	s10 =	ssub.s32 s10, s11;
	s7 =	sadd.s32 s7, s8;
	s6 =	sshrl.u32 s6, $0x3  }
0xa: {  	s11 =	simm.s32 $0x3;
	s12 =	sadd.s32 s6, s5;
	s31 =	sshrl.u32 s3, $0x3  }
0xb: {  	s6 =	sadd.s32 $0x1800, s9;
	s9 =	smax.u32 s10, $0x1;
	s10 =	simm.s32 $0x4F00  }
0xc: {  	s5 =	sadd.s32 s4, s31;
	s8 =	sadd.s32 $0x6800, s12;
	s12 =	simm.s32 $0x2780  }
.LBB2_1:
0xd: {  	[tilespmem:s10], [sflag:$0x1] =	stream.linear.gather [hbm4b:s5+s2], $0x4000, $0x38;
	[tilespmem:$0xCF00] =	vst v63  }
0xe: {  	_ = 	snop  }
0xf: {  	[tilespmem:s2], [sflag:$0x3] =	stream.linear.gather [hbm4b:s6+s2], $0x2780, $0x38;
	[tilespmem:$0xCF00] =	vst v63  }
0x10: {  	_ =	swait.ge [sflag:s11], $0x2780  }
0x11: {  	[sflag:s11] =	ssyncset.done $0x0  }
0x12: {  	[sflag:s11] =	ssyncadd.s32 $0xFFFFD880  }
0x13: {  	[tilespmem:s12], [sflag:$0x3] =	stream.linear.gather [hbm4b:s7+s2], $0x2780, $0x38;
	[tilespmem:$0xCF00] =	vst v63  }
0x14: {  	_ =	swait.ge [sflag:s11], $0x2780  }
0x15: {  	[sflag:s11] =	ssyncset.done $0x0  }
0x16: {  	p0 =	por $0x0, $0x0;
	s14 =	simm.s32 $0x0;
	[sflag:s11] =	ssyncadd.s32 $0xFFFFD880  }
.LBB2_3:
0x17: {  	s15 =	simm.s32 $0x1  }
0x18: {  	s16 =	smov.u32 s14;
	s15 =	simm.s32 @!p0 $0x0  }
0x19: {  	s31 =	sand.u32 $0x1, s16;
	s14 =	sadd.s32 $0x1, s16;
	p1 =	seq.s32 s16, $0x13  }
0x1a: {  	s30 =	sshll.u32 s15, $0xE;
	s15 =	sadd.s32 $0x1, s31;
	s16 =	sshll.u32 @!p1 s14, $0xE  }
0x1b: {  	s18 =	sand.u32 @!p1 $0x1, s14;
	s17 =	sadd.s32 $0x6F00, s30;
	_ =	swait.ge [sflag:s15], $0x4000  }
0x1c: {  	s16 =	sadd.s32 @!p1 s3, s16;
	s19 =	sshll.u32 @!p1 s18, $0xE;
	[sflag:s15] =	ssyncset.done $0x0  }
0x1d: {  	s18 =	sadd.s32 @!p1 $0x1, s18;
	s16 =	sshrl.u32 @!p1 s16, $0x3;
	[sflag:s15] =	ssyncadd.s32 $0xFFFFC000  }
0x1e: {  	s15 =	sadd.s32 @!p1 $0x4F00, s19;
	s16 =	sadd.s32 @!p1 s4, s16;
	s19 =	simm.s32 @!p1 $0x0  }
0x1f: {  	[tilespmem:s15], [sflag:s18] =	stream.linear.gather @!p1 [hbm4b:s16+s19], $0x4000, $0x38;
	[tilespmem:$0xCF00] =	vst v63  }
0x20: {  	v0 =	vld [tilespmem:s17+$0xFFFFE070]  }
0x21: {  	v1 =	vld [tilespmem:s17+$0xFFFFE010]  }
0x22: {  	v2 =	vld [tilespmem:s17+$0xFFFFE020]  }
0x23: {  	v3 =	vld [tilespmem:s17+$0xFFFFE030]  }
0x24: {  	v4 =	vld [tilespmem:s17+$0xFFFFE040]  }
0x25: {  	v5 =	vld [tilespmem:s17+$0xFFFFE050]  }
0x26: {  	v6 =	vld [tilespmem:s17+$0x70]  }
0x27: {  	v7 =	vld [tilespmem:s17+$0xFFFFE060]  }
0x28: {  	v8 =	vld [tilespmem:s17+$0xFFFFE000]  }
0x29: {  	v63 =	vld [tilespmem:s17+$0x0]  }
0x2a: {  	v10 =	vld [tilespmem:s17+$0x10]  }
0x2b: {  	v11 =	vld [tilespmem:s17+$0x20]  }
0x2c: {  	v12 =	vld [tilespmem:s17+$0x30]  }
0x2d: {  	v13 =	vld [tilespmem:s17+$0x40]  }
0x2e: {  	v14 =	vld [tilespmem:s17+$0x50]  }
0x2f: {  	v0 =	vld.idx.msk [tilespmem:v0+s2+$0x0], $0xffff  }
0x30: {  	v9 =	vld.idx.msk [tilespmem:v1+s2+$0x0], $0xffff  }
0x31: {  	v2 =	vld.idx.msk [tilespmem:v2+s2+$0x0], $0xffff  }
0x32: {  	v3 =	vld.idx.msk [tilespmem:v3+s2+$0x0], $0xffff  }
0x33: {  	v4 =	vld.idx.msk [tilespmem:v4+s2+$0x0], $0xffff  }
0x34: {  	v62 =	vld.idx.msk [tilespmem:v8+s2+$0x0], $0xffff  }
0x35: {  	v5 =	vld.idx.msk [tilespmem:v5+s2+$0x0], $0xffff  }
0x36: {  	v1 =	vld [tilespmem:s17+$0x60]  }
0x37: {  	[tilespmem:v6+s12+$0x0] =	vst.idx.add.f32.msk $0xffff, v0  }
0x38: {  	v0 =	vld.idx.msk [tilespmem:v7+s2+$0x0], $0xffff  }
0x39: {  	[tilespmem:v63+s12+$0x0] =	vst.idx.add.f32.msk $0xffff, v62  }
0x3a: {  	[tilespmem:v10+s12+$0x0] =	vst.idx.add.f32.msk $0xffff, v9  }
0x3b: {  	[tilespmem:v11+s12+$0x0] =	vst.idx.add.f32.msk $0xffff, v2  }
0x3c: {  	[tilespmem:v12+s12+$0x0] =	vst.idx.add.f32.msk $0xffff, v3  }
0x3d: {  	[tilespmem:v13+s12+$0x0] =	vst.idx.add.f32.msk $0xffff, v4  }
0x3e: {  	s15 =	simm.s32 $0x0;
	s16 =	sadd.s32 $0x80, s17;
	[tilespmem:v14+s12+$0x0] =	vst.idx.add.f32.msk $0xffff, v5  }
.LBB2_4:
0x3f: {  	v2 =	vld [tilespmem:s16+$0xFFFFE070];
	s15 =	sadd.s32 $0x8, s15  }
0x40: {  	v3 =	vld [tilespmem:s16+$0xFFFFE010];
	p1 =	slt.u32 s15, $0x1F8  }
0x41: {  	v4 =	vld [tilespmem:s16+$0xFFFFE020]  }
0x42: {  	v5 =	vld [tilespmem:s16+$0xFFFFE030]  }
0x43: {  	v6 =	vld [tilespmem:s16+$0xFFFFE040]  }
0x44: {  	v7 =	vld [tilespmem:s16+$0xFFFFE050]  }
0x45: {  	v8 =	vld [tilespmem:s16+$0x70]  }
0x46: {  	v9 =	vld [tilespmem:s16+$0xFFFFE060]  }
0x47: {  	v2 =	vld.idx.msk [tilespmem:v2+s2+$0x0], $0xffff  }
0x48: {  	v10 =	vld [tilespmem:s16+$0xFFFFE000]  }
0x49: {  	v3 =	vld.idx.msk [tilespmem:v3+s2+$0x0], $0xffff  }
0x4a: {  	v4 =	vld.idx.msk [tilespmem:v4+s2+$0x0], $0xffff  }
0x4b: {  	v5 =	vld.idx.msk [tilespmem:v5+s2+$0x0], $0xffff  }
0x4c: {  	v6 =	vld.idx.msk [tilespmem:v6+s2+$0x0], $0xffff  }
0x4d: {  	[tilespmem:v8+s12+$0x0] =	vst.idx.add.f32.msk $0xffff, v2  }
0x4e: {  	v2 =	vld.idx.msk [tilespmem:v7+s2+$0x0], $0xffff  }
0x4f: {  	v7 =	vld.idx.msk [tilespmem:v9+s2+$0x0], $0xffff  }
0x50: {  	v8 =	vld.idx.msk [tilespmem:v10+s2+$0x0], $0xffff  }
0x51: {  	v9 =	vld [tilespmem:s16+$0x0]  }
0x52: {  	v10 =	vld [tilespmem:s16+$0x10]  }
0x53: {  	v11 =	vld [tilespmem:s16+$0x20]  }
0x54: {  	v12 =	vld [tilespmem:s16+$0x30]  }
0x55: {  	v13 =	vld [tilespmem:s16+$0x40]  }
0x56: {  	v14 =	vld [tilespmem:s16+$0x50]  }
0x57: {  	v15 =	vld [tilespmem:s16+$0x60]  }
0x58: {  	[tilespmem:v1+s12+$0x0] =	vst.idx.add.f32.msk $0xffff, v0;
	v0 =	vmov v7  }
0x59: {  	[tilespmem:v9+s12+$0x0] =	vst.idx.add.f32.msk $0xffff, v8  }
.Ltmp0:
0x5a: {  	[tilespmem:v10+s12+$0x0] =	vst.idx.add.f32.msk $0xffff, v3;
	(pc) =	sbr.rel @p1 .LBB2_4-.Ltmp0, $4  }
0x5b: {  	[tilespmem:v11+s12+$0x0] =	vst.idx.add.f32.msk $0xffff, v4  }
0x5c: {  	[tilespmem:v12+s12+$0x0] =	vst.idx.add.f32.msk $0xffff, v5;
	v1 =	vmov v15  }
0x5d: {  	[tilespmem:v13+s12+$0x0] =	vst.idx.add.f32.msk $0xffff, v6  }
0x5e: {  	s16 =	sadd.s32 $0x80, s16;
	[tilespmem:v14+s12+$0x0] =	vst.idx.add.f32.msk $0xffff, v2  }
0x5f: {  	_ =	sdelay $0x3  }
0x60: {  	[tilespmem:v1+s12+$0x0] =	vst.idx.add.f32.msk $0xffff, v0  }
0x61: {  	p1 =	seq.s32 s14, $0x14  }
.Ltmp1:
0x62: {  	_ = 	snop;
	(pc) =	sbr.rel @!p1 .LBB2_3-.Ltmp1, $2  }
0x63: {  	_ =	sdelay $0x2  }
0x64: {  	p0 =	por !p0, !p0  }
0x65: {  	s13 =	sadd.s32 $0x1, s13  }
0x66: {  	p0 =	sne.s32 s13, s9  }
.Ltmp2:
0x67: {  	_ = 	snop;
	(pc) =	sbr.rel @p0 .LBB2_1-.Ltmp2, $4  }
0x68: {  	[hbm4b:s8+s2] =	stream.linear.scatter [tilespmem:s12], [sflag:$0x3], $0x2780, $0x38;
	[tilespmem:$0xCF00] =	vst v63  }
0x69: {  	_ =	swait.ge [sflag:s11], $0x2780  }
0x6a: {  	[sflag:s11] =	ssyncset.done $0x0  }
0x6b: {  	[sflag:s11] =	ssyncadd.s32 $0xFFFFD880  }
0x6c: {  	_ =	sfence.sel $0x180000  }
0x6d: {  	[bflag:$0x0] =	sbarrier.arrive $0xFFFF  }
0x6e: {  	p0 =	sne.s32 s0, $0x0;
	_ =	strace $0x9000004D  }
0x6f: {  	s0 =	sadd.s32 @!p0 $0x100000, s1;
	[bflag:$0x2] =	sbarrier.arrive $0xFFFF  }
0x70: {  	[sflag:s0] =	ssyncadd.tile.s32 @!p0 $0x1;
	_ =	shalt  }
.Lfunc_end2:
_tile_overlayer_lowered:
.L_overlay_start_2:
0x71: {  	(tag) =	ssettag $0x2  }
0x72: {  	s0 =	rddreg [dreg:$0x0];
	s2 =	stileid.u32  }
0x73: {  	s1 =	rddreg [dreg:$0x1];
	p0 =	sne.s32 s2, $0x0  }
0x74: {  	s3 =	rddreg [dreg:$0x2];
	[bflag:$0x3] =	sbarrier.arrive $0xFFFF;
	s2 =	simm.s32 @!p0 $0x1C03  }
0x75: {  	[timem:s3], [sflag:s2] =	dma.local @!p0 [hbm:s0], s1  }
0x76: {  	s0 =	simm.s32 @!p0 $0x3  }
0x77: {  	_ =	swait.ge @!p0 [sflag:s0], s1  }
0x78: {  	s1 =	ssub.s32 @!p0 $0x0, s1;
	[sflag:s0] =	ssyncset.done @!p0 $0x0  }
0x79: {  	[sflag:s0] =	ssyncadd.s32 @!p0 s1  }
0x7a: {  	[bflag:$0x3] =	sbarrier.arrive $0xFFFF  }
0x7b: {  	_ =	shalt  }

// kernel: kernel.8.cloned.1.call-start
scs
__scs_entry_jumppad:
0x0: {  	(pc) =	sbr.rel $0x88, $3  }
0x1: {  	(tag) =	ssettag $0x0;
	lr =	simm.s32 $0x1  }
0x2: {  	[smem:$0x3F9B] =	sst lr;
	_ =	strace $0xD0000000  }
0x3: {  	_ = 	snop  }
0x4: {  	_ = 	snop  }
0x5: {  	_ = 	snop  }
0x6: {  	_ = 	snop  }
0x7: {  	_ = 	snop  }
__scs_overlays_trampoline_lowered:
0x8: {  	[smem:$0x3FAA] =	sst s0  }
0x9: {  	[smem:$0x3FAB] =	sst s1  }
0xa: {  	[smem:$0x3FAC] =	sst s2  }
0xb: {  	[smem:$0x3FAD] =	sst s3  }
0xc: {  	[smem:$0x3FAE] =	sst s4  }
0xd: {  	[smem:$0x3FAF] =	sst s5  }
0xe: {  	[smem:$0x3FB0] =	sst s6  }
0xf: {  	[smem:$0x3FB1] =	sst s7  }
0x10: {  	[smem:$0x3FB2] =	sst s8  }
0x11: {  	[smem:$0x3FB3] =	sst s9;
	s0 =	simm.s32 @!p0 $0x0  }
0x12: {  	s1 =	sld [smem:$0x3F99];
	s0 =	simm.s32 @p0 $0x1  }
0x13: {  	[smem:$0x3FB4] =	sst s0;
	s0 =	simm.s32 @!p1 $0x0  }
0x14: {  	s2 =	sld [smem:$0x3F98];
	s0 =	simm.s32 @p1 $0x1  }
0x15: {  	[smem:$0x3FB5] =	sst s0;
	s0 =	simm.s32 @!p2 $0x0  }
0x16: {  	s3 =	sld [smem:$0x3FDB];
	s0 =	simm.s32 @p2 $0x1  }
0x17: {  	s4 =	simm.s32 $0x1BF5;
	[smem:$0x3FB7] =	sst s0  }
0x18: {  	s0 =	sld [smem:$0x3F9A];
	_ =	swait.ge [sflag:s4], $0x0  }
0x19: {  	s7 =	sld [smem:$0x3F9B]  }
0x1a: {  	s8 =	sadd.s32 $0xFFFFE003, lr  }
0x1b: {  	s9 =	sadd.s32 $0xFFFFFEF7, lr;
	s5 =	simm.s32 $0xFFFFFFFF;
	p2 =	slt.u32 s8, $0xFFFFF086  }
0x1c: {  	p1 =	slt.u32 s9, $0xF7A;
	s5 =	simm.s32 @!p2 $0x0  }
0x1d: {  	s5 =	simm.s32 @p1 $0x1;
	p0 =	seq.s32 s7, s2  }
0x1e: {  	s7 =	smul.u32 @!p0 $0xF7A, s2;
	p2 =	seq.s32 @!p0 s5, $0x0  }
0x1f: {  	s9 =	smul.u32 $0xF7A, s1;
	s8 =	simm.s32 @!p0 $0x1BF5;
	p2 =	por !p2, p0  }
0x20: {  	[sflag:s8] =	ssyncset.s32 @!p0 $0xFFFFF086;
	s6 =	sadd.s32 @!p0 s3, s7;
	s7 =	simm.s32 @!p0 $0x108  }
0x21: {  	s3 =	sadd.s32 s3, s9;
	s6 =	sadd.s32 @!p0 $0x88, s6;
	s7 =	simm.s32 @p2 $0x1082  }
0x22: {  	[simem:s7], [sflag:s8] =	dma.local @!p0 [hbm:s6], $0xF7A  }
0x23: {  	s9 =	sor.u32 $0xD0000000, s2;
	s6 =	simm.s32 $0x108;
	_ =	swait.ge @!p0 [sflag:s8], $0x0  }
0x24: {  	s3 =	sadd.s32 $0x88, s3;
	s6 =	simm.s32 @!p1 $0x1082;
	[sflag:s4] =	ssyncset.s32 $0xFFFFF086  }
0x25: {  	[simem:s6], [sflag:s4] =	dma.local [hbm:s3], $0xF7A  }
0x26: {  	[smem:$0x3F9B] =	sst s1;
	(tag) =	ssettag s2;
	_ =	strace s9  }
0x27: {  	s1 =	sld [smem:$0x3FAB]  }
0x28: {  	s2 =	sld [smem:$0x3FAC]  }
0x29: {  	s4 =	sld [smem:$0x3FAE]  }
0x2a: {  	p0 =	seq.s32 s5, $0x0;
	s5 =	sld [smem:$0x3FAF]  }
0x2b: {  	s6 =	sld [smem:$0x3FB0]  }
0x2c: {  	s7 =	sld [smem:$0x3FB1]  }
0x2d: {  	s3 =	simm.s32 $0x108;
	s8 =	sld [smem:$0x3FB2]  }
0x2e: {  	s3 =	simm.s32 @!p0 $0x1082;
	s9 =	sld [smem:$0x3FB3]  }
0x2f: {  	lr =	sadd.s32 s0, s3;
	s0 =	sld [smem:$0x3FAA]  }
0x30: {  	s3 =	sld [smem:$0x3FAD]  }
0x31: {  	[smem:$0x3FB6] =	sst s10  }
0x32: {  	s10 =	sld [smem:$0x3FB4];
	_ =	sdelay $0x3  }
0x33: {  	p0 =	seq.s32 s10, $0x1;
	s10 =	sld [smem:$0x3FB6];
	_ =	sdelay $0x3  }
0x34: {  	[smem:$0x3FB6] =	sst s10  }
0x35: {  	s10 =	sld [smem:$0x3FB5];
	_ =	sdelay $0x3  }
0x36: {  	p1 =	seq.s32 s10, $0x1;
	s10 =	sld [smem:$0x3FB6];
	_ =	sdelay $0x3  }
0x37: {  	[smem:$0x3FB6] =	sst s10  }
0x38: {  	s10 =	sld [smem:$0x3FB7]  }
0x39: {  	_ = 	snop;
	(pc) =	sbr.ind lr, $3  }
0x3a: {  	_ = 	snop  }
0x3b: {  	_ = 	snop  }
0x3c: {  	p2 =	seq.s32 s10, $0x1;
	s10 =	sld [smem:$0x3FB6]  }
0x3d: {  	_ =	shalt  }
0x3e: {  	_ =	shalt  }
0x3f: {  	_ =	shalt  }
0x40: {  	_ =	shalt  }
0x41: {  	_ =	shalt  }
0x42: {  	_ =	shalt  }
0x43: {  	_ =	shalt  }
0x44: {  	_ =	shalt  }
0x45: {  	_ =	shalt  }
0x46: {  	_ =	shalt  }
0x47: {  	_ =	shalt  }
0x48: {  	_ =	shalt  }
0x49: {  	_ =	shalt  }
0x4a: {  	_ =	shalt  }
0x4b: {  	_ =	shalt  }
0x4c: {  	_ =	shalt  }
0x4d: {  	_ =	shalt  }
0x4e: {  	_ =	shalt  }
0x4f: {  	_ =	shalt  }
0x50: {  	_ =	shalt  }
0x51: {  	_ =	shalt  }
0x52: {  	_ =	shalt  }
0x53: {  	_ =	shalt  }
0x54: {  	_ =	shalt  }
0x55: {  	_ =	shalt  }
0x56: {  	_ =	shalt  }
0x57: {  	_ =	shalt  }
0x58: {  	_ =	shalt  }
0x59: {  	_ =	shalt  }
0x5a: {  	_ =	shalt  }
0x5b: {  	_ =	shalt  }
0x5c: {  	_ =	shalt  }
0x5d: {  	_ =	shalt  }
0x5e: {  	_ =	shalt  }
0x5f: {  	_ =	shalt  }
0x60: {  	_ =	shalt  }
0x61: {  	_ =	shalt  }
0x62: {  	_ =	shalt  }
0x63: {  	_ =	shalt  }
0x64: {  	_ =	shalt  }
0x65: {  	_ =	shalt  }
0x66: {  	_ =	shalt  }
0x67: {  	_ =	shalt  }
0x68: {  	_ =	shalt  }
0x69: {  	_ =	shalt  }
0x6a: {  	_ =	shalt  }
0x6b: {  	_ =	shalt  }
0x6c: {  	_ =	shalt  }
0x6d: {  	_ =	shalt  }
0x6e: {  	_ =	shalt  }
0x6f: {  	_ =	shalt  }
0x70: {  	_ =	shalt  }
0x71: {  	_ =	shalt  }
0x72: {  	_ =	shalt  }
0x73: {  	_ =	shalt  }
0x74: {  	_ =	shalt  }
0x75: {  	_ =	shalt  }
0x76: {  	_ =	shalt  }
0x77: {  	_ =	shalt  }
0x78: {  	_ =	shalt  }
0x79: {  	_ =	shalt  }
0x7a: {  	_ =	shalt  }
0x7b: {  	_ =	shalt  }
0x7c: {  	_ =	shalt  }
0x7d: {  	_ =	shalt  }
0x7e: {  	_ =	shalt  }
0x7f: {  	_ =	shalt  }
0x80: {  	_ =	shalt  }
0x81: {  	_ =	shalt  }
0x82: {  	_ =	shalt  }
0x83: {  	_ =	shalt  }
0x84: {  	_ =	shalt  }
0x85: {  	_ =	shalt  }
0x86: {  	_ =	shalt  }
0x87: {  	_ =	shalt  }
.Lfunc_end0:
.L_simem_size_0:
called_computation_lowered:
.L_overlay_start_0:
0x88: {  	s2 =	sld [smem:$0x3FD9]  }
0x89: {  	s3 =	sld [smem:$0x3FFE];
	_ =	sdelay $0x1  }
0x8a: {  	s1 =	srdreg.scid  }
0x8b: {  	s0 =	sand.u32 $0x1, s1  }
0x8c: {  	s17 =	sshll.u32 s0, $0xA;
	s2 =	sadd.s32 s3, s2  }
0x8d: {  	s2 =	sadd.s32 s2, s17  }
0x8e: {  	[smem:$0x3FC2] =	sst s2  }
0x8f: {  	_ = 	snop  }
0x90: {  	s2 =	sld [smem:$0x3FD0];
	(tm) =	ssettm $0x1  }
0x91: {  	s18 =	sld [smem:$0x3FFB];
	_ =	sdelay $0x3  }
0x92: {  	_ =	strace s18  }
0x93: {  	s3 =	sld [smem:$0x3FFC];
	_ =	sdelay $0x3  }
0x94: {  	_ =	strace s3  }
0x95: {  	s3 =	sld [smem:$0x3FFD];
	_ =	sdelay $0x3  }
0x96: {  	_ =	strace s3  }
0x97: {  	_ =	strace $0x8FFFFFFF  }
0x98: {  	s19 =	sld [smem:$0x3FDB];
	_ =	sdelay $0x1  }
0x99: {  	s4 =	simm.s32 $_scs_section_size  }
0x9a: {  	s5 =	simm.s32 $_size__tile_overlayer_lowered;
	s6 =	simm.s32 $_tile_overlayer_lowered  }
0x9b: {  	s22 =	simm.s32 $0x1BFF;
	s21 =	sshll.u32 s6, $0x1;
	s3 =	sadd.s32 s4, s19  }
0x9c: {  	s7 =	simm.s32 $0x0;
	s20 =	sshll.u32 s5, $0x1;
	s5 =	sadd.s32 s21, s3  }
0x9d: {  	[timem:s7], [sflag:s22] =	dma.local [hbm:s5], s20  }
0x9e: {  	_ =	swait.ge [sflag:s22], s20  }
0x9f: {  	s4 =	ssub.s32 $0x0, s20;
	[sflag:s22] =	ssyncset.done $0x0  }
0xa0: {  	[sflag:s22] =	ssyncadd.s32 s4;
	_ =	sdelay $0x1  }
0xa1: {  	s23 =	simm.s32 $0x1B8B  }
0xa2: {  	_ =	swait.ge [sflag:s23], $0x1  }
0xa3: {  	[sflag:s23] =	ssyncset.done $0x0  }
0xa4: {  	s25 =	simm.s32 $0x1B8E;
	s24 =	sld [smem:$0x3FFE];
	[sflag:s23] =	ssyncadd.s32 $0xFFFFFFFF  }
0xa5: {  	s26 =	simm.s32 $execute0_lowered;
	[smem:$0x3FD2] =	sst s25  }
0xa6: {  	s5 =	sshll.u32 s26, $0x1;
	_ =	strace $0x80000046;
	[dreg:$0x1] =	wrdreg $0xFFFFFFFF  }
0xa7: {  	s28 =	simm.s32 $_size_execute0_lowered;
	s3 =	sadd.s32 s3, s5;
	[dreg:$0x0] =	wrdreg $0x0  }
0xa8: {  	s5 =	sshll.u32 s28, $0x1;
	[dreg:$0x2] =	wrdreg s3  }
0xa9: {  	[dreg:$0x3] =	wrdreg s5  }
0xaa: {  	[dreg:$0x4] =	wrdreg $0xC0  }
0xab: {  	_ =	task [dreg:s7], $0x5FFFF  }
0xac: {  	[dreg:$0x1] =	wrdreg $0xFFFFFFFF  }
0xad: {  	[dreg:$0x0] =	wrdreg $0x60  }
0xae: {  	[dreg:$0x2] =	wrdreg s24  }
0xaf: {  	[dreg:$0x3] =	wrdreg s2  }
0xb0: {  	[dreg:$0x4] =	wrdreg $0x2F800  }
0xb1: {  	[dreg:$0x5] =	wrdreg $0x9  }
0xb2: {  	_ =	task.clear_ibuf [dreg:s7], $0x6FFFF;
	_ =	strace $0x90000046  }
0xb3: {  	s29 =	simm.s32 $0x9;
	_ =	strace $0x80000048  }
0xb4: {  	_ =	swait.ge [sflag:s29], $0x1  }
0xb5: {  	[sflag:s29] =	ssyncadd.s32 $0xFFFFFFFF  }
0xb6: {  	_ =	strace $0x90000048  }
0xb7: {  	_ =	sfence  }
0xb8: {  	s30 =	sld [smem:$0x0];
	_ =	sdelay $0x2  }
0xb9: {  	s31 =	sshll.u32 s1, $0xD;
	s1 =	sshrl.u32 s1, $0x2  }
0xba: {  	s3 =	sand.u32 $0x4000, s31;
	s1 =	sadd.s32 s1, s30  }
0xbb: {  	s0 =	sor.u32 s3, s0;
	s1 =	sshll.u32 s1, $0x11  }
0xbc: {  	s0 =	sor.u32 s1, s0  }
0xbd: {  	s0 =	sadd.s32 $0x8F2B, s0  }
0xbe: {  	[sflag:s0] =	ssyncadd.remote.s32 $0x1  }
0xbf: {  	_ =	sfence.sel $0xFFFF  }
0xc0: {  	[dreg:$0x0] =	wrdreg $0xFFFFFFFF;
	(pc) =	sbr.abs _section_cstart, $3  }
0xc1: {  	[dreg:$0x1] =	wrdreg $0xFFFFFFFF  }
0xc2: {  	_ =	task.clear_ibuf [dreg:s7], $0x2FFFF;
	_ =	strace $0x9FFFFFFF  }
0xc3: {  	(tm) =	ssettm $0x7FFFFFFF  }
tec
execute0_lowered:
.L_overlay_start_1:
0x0: {  	(tag) =	ssettag $0x1  }
0x1: {  	s5 =	rddreg [dreg:$0x0]  }
0x2: {  	s1 =	srdreg.scid;
	s6 =	rddreg [dreg:$0x1]  }
0x3: {  	s0 =	stileid.u32;
	s2 =	rddreg [dreg:$0x2];
	s3 =	simm.s32 $0x0  }
0x4: {  	s12 =	simm.s32 $0x2780;
	s13 =	simm.s32 $0x80;
	s14 =	simm.s32 $0x0  }
0x5: {  	s4 =	sand.u32 $0x1, s1;
	s28 =	sshll.u32 s0, $0x1;
	s8 =	smul.u32 $0x2780, s0  }
0x6: {  	[smem:$0x7FF] =	sst s3;
	s31 =	sshll.u32 s0, $0x6;
	s1 =	sor.u32 s4, s28  }
0x7: {  	s9 =	smul.u32 $0x27800, s4;
	s10 =	ssub.s32 $0x2, s4;
	s4 =	sadd.s32 $0xB600, s5  }
0x8: {  	s7 =	smul.u32 $0x4F0, s1;
	s1 =	rddreg [dreg:$0x3];
	_ =	strace $0x80000047  }
0x9: {  	s11 =	sshrl.u32 s10, $0x1;
	s29 =	sshrl.u32 s8, $0x3;
	s9 =	sadd.s32 s8, s9  }
0xa: {  	s30 =	sadd.s32 s8, s2;
	s10 =	ssub.s32 s10, s11;
	s9 =	sshrl.u32 s9, $0x3  }
0xb: {  	s11 =	simm.s32 $0x1;
	s7 =	sadd.s32 s7, s5;
	s9 =	sadd.s32 s9, s5  }
0xc: {  	s5 =	sadd.s32 s6, s29;
	s6 =	sor.u32 $0x1C01, s31;
	s7 =	sadd.s32 $0x1800, s7  }
0xd: {  	s8 =	sadd.s32 $0xB800, s9;
	s9 =	smax.u32 s10, $0x1;
	s10 =	sshrl.u32 s30, $0x3  }
.LBB2_1:
0xe: {  	[spmem:s10], [sflag:s6] =	dma.local [hbm:s5], $0x4F0  }
0xf: {  	_ =	swait.ge [sflag:s11], $0x4F0  }
0x10: {  	[sflag:s11] =	ssyncset.done $0x0  }
0x11: {  	[sflag:s11] =	ssyncadd.s32 $0xFFFFFB10  }
0x12: {  	[tilespmem:s12], [sflag:$0x1] =	stream.linear.gather [hbm4b:s4+s3], $0x800, $0x38;
	[tilespmem:$0x5700] =	vst v63  }
0x13: {  	_ =	swait.ge [sflag:s11], $0x800  }
0x14: {  	[sflag:s11] =	ssyncset.done $0x0  }
0x15: {  	[sflag:s11] =	ssyncadd.s32 $0xFFFFF800  }
0x16: {  	[tilespmem:s3], [sflag:$0x1] =	stream.linear.gather [hbm4b:s7+s3], $0x2780, $0x38;
	[tilespmem:$0x5700] =	vst v63  }
0x17: {  	_ =	swait.ge [sflag:s11], $0x2780  }
0x18: {  	[sflag:s11] =	ssyncset.done $0x0  }
0x19: {  	[sflag:s11] =	ssyncadd.s32 $0xFFFFD880  }
0x1a: {  	s15 =	simm.s32 $0x0;
	[bflag:$0x0] =	sbarrier.arrive $0xFFFF  }
0x1b: {  	[spmem:s2] =	stream.indirect.scatter.add.f32 [tilespmem:s12], [sflag:$0x1], $0x10, s15, s13, $0xb8;
	[tilespmem:$0x5700] =	vst v63  }
0x1c: {  	_ =	swait.ge [sflag:s11], $0x800  }
0x1d: {  	s15 =	simm.s32 $0x200;
	[sflag:s11] =	ssyncset.done $0x0  }
.LBB2_2:
0x1e: {  	s16 =	sshra.s32 s15, $0x2;
	[sflag:s11] =	ssyncadd.s32 $0xFFFFF800;
	p0 =	sne.s32 s15, $0x9C00  }
0x1f: {  	[spmem:s2] =	stream.indirect.scatter.add.f32 [tilespmem:s12], [sflag:$0x1], $0x10, s16, s13, $0xb8;
	[tilespmem:$0x5700] =	vst v63  }
.Ltmp0:
0x20: {  	_ = 	snop;
	(pc) =	sbr.rel @p0 .LBB2_2-.Ltmp0, $4  }
0x21: {  	_ = 	snop  }
0x22: {  	s15 =	sadd.s32 $0x200, s15  }
0x23: {  	_ =	swait.ge [sflag:s11], $0x800  }
0x24: {  	[sflag:s11] =	ssyncset.done $0x0  }
0x25: {  	s14 =	sadd.s32 $0x1, s14  }
0x26: {  	[sflag:s11] =	ssyncadd.s32 $0xFFFFF800;
	p0 =	sne.s32 s14, s9  }
.Ltmp1:
0x27: {  	[bflag:$0x0] =	sbarrier.arrive $0xFFFF;
	(pc) =	sbr.rel @p0 .LBB2_1-.Ltmp1, $4  }
0x28: {  	[hbm:s8], [sflag:s6] =	dma.local [spmem:s10], $0x4F0  }
0x29: {  	_ =	swait.ge [sflag:s11], $0x4F0  }
0x2a: {  	[sflag:s11] =	ssyncset.done $0x0  }
0x2b: {  	[sflag:s11] =	ssyncadd.s32 $0xFFFFFB10  }
0x2c: {  	_ =	sfence.sel $0x180000  }
0x2d: {  	[bflag:$0x0] =	sbarrier.arrive $0xFFFF  }
0x2e: {  	p0 =	sne.s32 s0, $0x0;
	_ =	strace $0x90000047  }
0x2f: {  	s0 =	sadd.s32 @!p0 $0x100000, s1;
	[bflag:$0x2] =	sbarrier.arrive $0xFFFF  }
0x30: {  	[sflag:s0] =	ssyncadd.tile.s32 @!p0 $0x1;
	_ =	shalt  }
.Lfunc_end2:
_tile_overlayer_lowered:
.L_overlay_start_2:
0x31: {  	(tag) =	ssettag $0x2  }
0x32: {  	s0 =	rddreg [dreg:$0x0];
	s2 =	stileid.u32  }
0x33: {  	s1 =	rddreg [dreg:$0x1];
	p0 =	sne.s32 s2, $0x0  }
0x34: {  	s3 =	rddreg [dreg:$0x2];
	[bflag:$0x3] =	sbarrier.arrive $0xFFFF;
	s2 =	simm.s32 @!p0 $0x1C01  }
0x35: {  	[timem:s3], [sflag:s2] =	dma.local @!p0 [hbm:s0], s1  }
0x36: {  	s0 =	simm.s32 @!p0 $0x1  }
0x37: {  	_ =	swait.ge @!p0 [sflag:s0], s1  }
0x38: {  	s1 =	ssub.s32 @!p0 $0x0, s1;
	[sflag:s0] =	ssyncset.done @!p0 $0x0  }
0x39: {  	[sflag:s0] =	ssyncadd.s32 @!p0 s1  }
0x3a: {  	[bflag:$0x3] =	sbarrier.arrive $0xFFFF  }
0x3b: {  	_ =	shalt  }

</sc_bundles>
